<compile_context>
chip_gen: v7x
topology: tpu7x:2x2x1
jax: 0.10.2.dev20260603
libtpu: 0.0.44.dev20260713+nightly
codegen_flags: <defaults>
</compile_context>

<pallas_src>
import functools

import jax
import jax.numpy as jnp
from jax import lax
from jax.experimental import pallas as pl
from jax.experimental.pallas import tpu as pltpu
from jax.experimental.pallas import tpu_sc as plsc

N = 10000
D = 128
E = 320000

NC = 2
NS = 16
NT = NC * NS

CH = 128
E_FULL = E + N
CHUNKS = -(-E_FULL // (NT * CH))
E_PAD = CHUNKS * NT * CH
N_ACC = 10240
ROWS_PER_TILE = N_ACC // NS // CH

_MESH = dict(core_axis_name="c", subcore_axis_name="s", num_cores=NC,
             num_subcores=NS)


def _sc_degree(dst_t):
  mesh = plsc.VectorSubcoreMesh(**_MESH)
  per_tile = N_ACC // NS

  @functools.partial(
      pl.kernel,
      out_type=jax.ShapeDtypeStruct((NC, N_ACC), jnp.float32),
      mesh=mesh,
      scratch_types=[
          pltpu.VMEM((CHUNKS, CH), jnp.int32),
          pltpu.VMEM((CH,), jnp.float32),
          pltpu.VMEM((per_tile,), jnp.float32),
          pltpu.VMEM_SHARED((N_ACC,), jnp.float32),
      ],
  )
  def k(dst_hbm, out_hbm, idx_v, ones_v, stage_v, acc):
    cid = lax.axis_index("c")
    sid = lax.axis_index("s")
    wid = cid * NS + sid

    def zero_body(i, _):
      stage_v[pl.ds(i * 16, 16)] = jnp.zeros((16,), jnp.float32)
      return 0
    lax.fori_loop(0, per_tile // 16, zero_body, 0)
    for i in range(CH // 16):
      ones_v[pl.ds(i * 16, 16)] = jnp.ones((16,), jnp.float32)

    pltpu.sync_copy(stage_v, acc.at[pl.ds(sid * per_tile, per_tile)])
    pltpu.sync_copy(dst_hbm.at[wid], idx_v)
    plsc.subcore_barrier()

    def body(j, _):
      pltpu.sync_copy(ones_v, acc.at[idx_v.at[j]], add=True)
      return 0
    lax.fori_loop(0, CHUNKS, body, 0)

    plsc.subcore_barrier()
    pltpu.sync_copy(acc.at[pl.ds(sid * per_tile, per_tile)],
                    out_hbm.at[cid, pl.ds(sid * per_tile, per_tile)])

  return k(dst_t)


def _sc_scatter(y, src_t, dst_t):
  mesh = plsc.VectorSubcoreMesh(**_MESH)
  y_rows_per_tile = (N // NS) & ~7
  y_tail = N - NS * y_rows_per_tile

  @functools.partial(
      pl.kernel,
      out_type=jax.ShapeDtypeStruct((NC, N_ACC, D), jnp.float32),
      mesh=mesh,
      scratch_types=[
          pltpu.VMEM((CHUNKS, CH), jnp.int32),
          pltpu.VMEM((CHUNKS, CH), jnp.int32),
          pltpu.VMEM((CH, D), jnp.float32),
          pltpu.VMEM_SHARED((N_ACC, D), jnp.float32),
          pltpu.SemaphoreType.DMA,
      ],
  )
  def k(y_hbm, src_hbm, dst_hbm, out_hbm, srcv, dstv, rows, acc, sem):
    cid = lax.axis_index("c")
    sid = lax.axis_index("s")
    wid = cid * NS + sid

    @pl.when(cid == 0)
    def _():
      pltpu.sync_copy(y_hbm.at[pl.ds(sid * y_rows_per_tile, y_rows_per_tile)],
                      acc.at[pl.ds(sid * y_rows_per_tile, y_rows_per_tile)])
      @pl.when(sid == 0)
      def _():
        pltpu.sync_copy(y_hbm.at[pl.ds(NS * y_rows_per_tile, y_tail)],
                        acc.at[pl.ds(NS * y_rows_per_tile, y_tail)])

    @pl.when(cid == 1)
    def _():
      def zrow(r, _):
        for q in range(D // 16):
          rows[r, pl.ds(q * 16, 16)] = jnp.zeros((16,), jnp.float32)
        return 0
      lax.fori_loop(0, CH, zrow, 0)
      for i in range(ROWS_PER_TILE):
        pltpu.sync_copy(rows, acc.at[pl.ds((sid * ROWS_PER_TILE + i) * CH, CH)])

    pltpu.sync_copy(src_hbm.at[wid], srcv)
    pltpu.sync_copy(dst_hbm.at[wid], dstv)
    plsc.subcore_barrier()

    def body(j, _):
      pltpu.async_copy(y_hbm.at[srcv.at[j]], rows, sem).wait()
      pltpu.sync_copy(rows, acc.at[dstv.at[j]], add=True)
      return 0
    lax.fori_loop(0, CHUNKS, body, 0)

    plsc.subcore_barrier()
    for i in range(ROWS_PER_TILE):
      b = (sid * ROWS_PER_TILE + i) * CH
      pltpu.sync_copy(acc.at[pl.ds(b, CH)], out_hbm.at[cid].at[pl.ds(b, CH)])

  return k(y, src_t, dst_t)


BR = 1000


def _dinv(deg_blk):
  return jnp.where(deg_blk > 0, lax.rsqrt(deg_blk), 0.0)


def _tc_first(x, W1, degcol):
  def body(x_ref, w_ref, d_ref, o_ref):
    d = _dinv(d_ref[...])
    o_ref[...] = d * jnp.dot(x_ref[...], w_ref[...],
                             preferred_element_type=jnp.float32)
  return pl.pallas_call(
      body,
      grid=(N // BR,),
      in_specs=[
          pl.BlockSpec((BR, D), lambda i: (i, 0)),
          pl.BlockSpec((D, D), lambda i: (0, 0)),
          pl.BlockSpec((BR, 1), lambda i: (i, 0)),
      ],
      out_specs=pl.BlockSpec((BR, D), lambda i: (i, 0)),
      out_shape=jax.ShapeDtypeStruct((N, D), jnp.float32),
  )(x, W1, degcol)


def _tc_mid(P0, P1, degcol, b1, W2):
  def body(p0_ref, p1_ref, d_ref, b_ref, w_ref, o_ref):
    d = _dinv(d_ref[...])
    h = jnp.maximum(d * (p0_ref[...] + p1_ref[...]) + b_ref[...], 0.0)
    o_ref[...] = d * jnp.dot(h, w_ref[...], preferred_element_type=jnp.float32)
  return pl.pallas_call(
      body,
      grid=(N // BR,),
      in_specs=[
          pl.BlockSpec((BR, D), lambda i: (i, 0)),
          pl.BlockSpec((BR, D), lambda i: (i, 0)),
          pl.BlockSpec((BR, 1), lambda i: (i, 0)),
          pl.BlockSpec((1, D), lambda i: (0, 0)),
          pl.BlockSpec((D, D), lambda i: (0, 0)),
      ],
      out_specs=pl.BlockSpec((BR, D), lambda i: (i, 0)),
      out_shape=jax.ShapeDtypeStruct((N, D), jnp.float32),
  )(P0, P1, degcol, b1.reshape(1, D), W2)


def _tc_final(Q0, Q1, degcol, b2, Wfc, bfc):
  dout = Wfc.shape[1]

  def body(q0_ref, q1_ref, d_ref, b_ref, w_ref, bf_ref, o_ref):
    d = _dinv(d_ref[...])
    h = jnp.maximum(d * (q0_ref[...] + q1_ref[...]) + b_ref[...], 0.0)
    logits = jnp.dot(h, w_ref[...], preferred_element_type=jnp.float32)
    logits = logits + bf_ref[...]
    m = jnp.max(logits, axis=1, keepdims=True)
    lse = m + jnp.log(jnp.sum(jnp.exp(logits - m), axis=1, keepdims=True))
    o_ref[...] = logits - lse

  return pl.pallas_call(
      body,
      grid=(N // BR,),
      in_specs=[
          pl.BlockSpec((BR, D), lambda i: (i, 0)),
          pl.BlockSpec((BR, D), lambda i: (i, 0)),
          pl.BlockSpec((BR, 1), lambda i: (i, 0)),
          pl.BlockSpec((1, D), lambda i: (0, 0)),
          pl.BlockSpec((D, dout), lambda i: (0, 0)),
          pl.BlockSpec((1, dout), lambda i: (0, 0)),
      ],
      out_specs=pl.BlockSpec((BR, dout), lambda i: (i, 0)),
      out_shape=jax.ShapeDtypeStruct((N, dout), jnp.float32),
  )(Q0, Q1, degcol, b2.reshape(1, D), Wfc, bfc.reshape(1, dout))


def kernel(x, edge_index, W1, b1, W2, b2, Wfc, bfc):
  loop = jnp.arange(N, dtype=jnp.int32)
  src = jnp.concatenate([edge_index[0].astype(jnp.int32), loop])
  dst = jnp.concatenate([edge_index[1].astype(jnp.int32), loop])
  npad = E_PAD - E_FULL
  src = jnp.concatenate([src, jnp.zeros((npad,), jnp.int32)])
  dst = jnp.concatenate([dst, jnp.full((npad,), N, jnp.int32)])
  src_t = src.reshape(NT, CHUNKS, CH)
  dst_t = dst.reshape(NT, CHUNKS, CH)

  degP = _sc_degree(dst_t)
  degcol = (degP[0] + degP[1])[:N].reshape(N, 1)

  y1 = _tc_first(x, W1, degcol)
  P = _sc_scatter(y1, src_t, dst_t)
  y2 = _tc_mid(P[0, :N], P[1, :N], degcol, b1, W2)
  Q = _sc_scatter(y2, src_t, dst_t)
  return _tc_final(Q[0, :N], Q[1, :N], degcol, b2, Wfc, bfc)

# --- scband reference (transcript-rebuilt; emitter-appended) ---
"""Pipeline reference for scband-fast-fraud-gnn-1657857376906 (READ-ONLY COPY).

The authoritative reference and input builder live on the scoring server;
editing this copy changes nothing except your own understanding.
"""

import jax, jax.numpy as jnp
import numpy as np

N = 10000
E = 320000
D_IN = 128
D_H = 128
D_OUT = 2


def setup_inputs(seed: int = 0) -> dict:
    key = jax.random.key(seed)
    ks = jax.random.split(key, 8)
    x = jax.random.normal(ks[0], (N, D_IN), dtype=jnp.float32)
    edge_index = jax.random.randint(ks[1], (2, E), 0, N, dtype=jnp.int32)
    W1 = jax.random.normal(ks[2], (D_IN, D_H), dtype=jnp.float32) / np.sqrt(D_IN)
    b1 = jnp.zeros((D_H,), dtype=jnp.float32)
    W2 = jax.random.normal(ks[3], (D_H, D_H), dtype=jnp.float32) / np.sqrt(D_H)
    b2 = jnp.zeros((D_H,), dtype=jnp.float32)
    Wfc = jax.random.normal(ks[4], (D_H, D_OUT), dtype=jnp.float32) / np.sqrt(D_H)
    bfc = jnp.zeros((D_OUT,), dtype=jnp.float32)
    return {"x": x, "edge_index": edge_index, "W1": W1, "b1": b1,
            "W2": W2, "b2": b2, "Wfc": Wfc, "bfc": bfc}


def _gcn_conv(x, edge_index, W, b):
    n = x.shape[0]
    loop = jnp.arange(n, dtype=edge_index.dtype)
    src = jnp.concatenate([edge_index[0], loop])
    dst = jnp.concatenate([edge_index[1], loop])
    xw = x @ W
    deg = jnp.zeros((n,), dtype=xw.dtype).at[dst].add(1.0)
    dinv = jnp.where(deg > 0, deg ** -0.5, 0.0)
    norm = dinv[src] * dinv[dst]
    msg = xw[src] * norm[:, None]
    out = jnp.zeros_like(xw).at[dst].add(msg)
    return out + b


def reference(x, edge_index, W1, b1, W2, b2, Wfc, bfc):
    h = jax.nn.relu(_gcn_conv(x, edge_index, W1, b1))
    h = jax.nn.relu(_gcn_conv(h, edge_index, W2, b2))
    # dropout p=0.3 is identity in eval mode (training=False)
    logits = h @ Wfc + bfc
    return jax.nn.log_softmax(logits, axis=1)

if __name__ == "__main__":
    import jax
    _d = setup_inputs()
    print(jax.jit(kernel)(*tuple(_d.values())))

</pallas_src>

<mosaic_0001>
#map = affine_map<(d0, d1) -> (0, 0, 0)>
#map1 = affine_map<(d0, d1) -> (0, 0)>
module attributes {stable_mosaic.version = 14 : i64} {
  func.func @k(%arg0: i32, %arg1: i32, %arg2: memref<32x81x128xi32, #tpu.memory_space<hbm>>, %arg3: memref<2x10240xf32, #tpu.memory_space<hbm>>, %arg4: memref<81x128xi32, #tpu.memory_space<vmem>>, %arg5: memref<128xf32, #tpu.memory_space<vmem>>, %arg6: memref<640xf32, #tpu.memory_space<vmem>>, %arg7: memref<10240xf32, #tpu.memory_space<vmem_shared>>) attributes {dimension_semantics = [#tpu.dimension_semantics<core_parallel>, #tpu.dimension_semantics<subcore_parallel>], iteration_bounds = array<i64: 2, 16>, scalar_prefetch = 0 : i64, scratch_operands = 4 : i64, tpu.core_type = #tpu.core_type<sc_vector_subcore>, window_params = [{transform_indices = #map}, {transform_indices = #map1}]} {
    %mul3A = arith.constant 16 : i32
    %mul3A_0 = arith.muli %arg0, %mul3A : i32
    %add3A = arith.addi %mul3A_0, %arg1 : i32
    %scan3A = arith.constant 0 : i32
    %scan3A_1 = arith.constant 0 : i32
    %scan3A_2 = arith.constant 40 : i32
    %scan3A_3 = arith.addi %scan3A_1, %scan3A_2 : i32
    %scan3A_4 = arith.constant 1 : i32
    %scan3A_5 = scf.for %scan3A_67 = %scan3A_1 to %scan3A_3 step %scan3A_4 iter_args(%scan3A_68 = %scan3A) -> (i32)  : i32 {
      %broadcast_in_dim3A_69 = arith.constant 0.000000e+00 : f32
      %broadcast_in_dim3A_70 = vector.broadcast %broadcast_in_dim3A_69 : f32 to vector<16xf32>
      %mul3A_71 = arith.constant 16 : i32
      %mul3A_72 = arith.muli %scan3A_67, %mul3A_71 : i32
      %swap3A_73 = arith.index_cast %mul3A_72 : i32 to index
      %swap3A_74 = tpu.vector_load %arg6[%swap3A_73] {strides = array<i32>} : memref<640xf32, #tpu.memory_space<vmem>>, vector<16xf32>,
      %swap3A_75 = vector.shape_cast %swap3A_74 : vector<16xf32> to vector<16xf32>
      %swap3A_76 = vector.shape_cast %broadcast_in_dim3A_70 : vector<16xf32> to vector<16xf32>
      tpu.vector_store %arg6[%swap3A_73], %swap3A_76 {strides = array<i32>} : memref<640xf32, #tpu.memory_space<vmem>>, vector<16xf32>,
      %scan3A_77 = arith.constant 0 : i32
      scf.yield %scan3A_77 : i32
    }
    %scan3A_6 = arith.constant 40 : i32
    %broadcast_in_dim3A = arith.constant 1.000000e+00 : f32
    %broadcast_in_dim3A_7 = vector.broadcast %broadcast_in_dim3A : f32 to vector<16xf32>
    %swap3A = arith.constant 0 : index
    %swap3A_8 = tpu.vector_load %arg5[%swap3A] {strides = array<i32>} : memref<128xf32, #tpu.memory_space<vmem>>, vector<16xf32>,
    %swap3A_9 = vector.shape_cast %swap3A_8 : vector<16xf32> to vector<16xf32>
    %swap3A_10 = vector.shape_cast %broadcast_in_dim3A_7 : vector<16xf32> to vector<16xf32>
    tpu.vector_store %arg5[%swap3A], %swap3A_10 {strides = array<i32>} : memref<128xf32, #tpu.memory_space<vmem>>, vector<16xf32>,
    %broadcast_in_dim3A_11 = arith.constant 1.000000e+00 : f32
    %broadcast_in_dim3A_12 = vector.broadcast %broadcast_in_dim3A_11 : f32 to vector<16xf32>
    %swap3A_13 = arith.constant 16 : index
    %swap3A_14 = tpu.vector_load %arg5[%swap3A_13] {strides = array<i32>} : memref<128xf32, #tpu.memory_space<vmem>>, vector<16xf32>,
    %swap3A_15 = vector.shape_cast %swap3A_14 : vector<16xf32> to vector<16xf32>
    %swap3A_16 = vector.shape_cast %broadcast_in_dim3A_12 : vector<16xf32> to vector<16xf32>
    tpu.vector_store %arg5[%swap3A_13], %swap3A_16 {strides = array<i32>} : memref<128xf32, #tpu.memory_space<vmem>>, vector<16xf32>,
    %broadcast_in_dim3A_17 = arith.constant 1.000000e+00 : f32
    %broadcast_in_dim3A_18 = vector.broadcast %broadcast_in_dim3A_17 : f32 to vector<16xf32>
    %swap3A_19 = arith.constant 32 : index
    %swap3A_20 = tpu.vector_load %arg5[%swap3A_19] {strides = array<i32>} : memref<128xf32, #tpu.memory_space<vmem>>, vector<16xf32>,
    %swap3A_21 = vector.shape_cast %swap3A_20 : vector<16xf32> to vector<16xf32>
    %swap3A_22 = vector.shape_cast %broadcast_in_dim3A_18 : vector<16xf32> to vector<16xf32>
    tpu.vector_store %arg5[%swap3A_19], %swap3A_22 {strides = array<i32>} : memref<128xf32, #tpu.memory_space<vmem>>, vector<16xf32>,
    %broadcast_in_dim3A_23 = arith.constant 1.000000e+00 : f32
    %broadcast_in_dim3A_24 = vector.broadcast %broadcast_in_dim3A_23 : f32 to vector<16xf32>
    %swap3A_25 = arith.constant 48 : index
    %swap3A_26 = tpu.vector_load %arg5[%swap3A_25] {strides = array<i32>} : memref<128xf32, #tpu.memory_space<vmem>>, vector<16xf32>,
    %swap3A_27 = vector.shape_cast %swap3A_26 : vector<16xf32> to vector<16xf32>
    %swap3A_28 = vector.shape_cast %broadcast_in_dim3A_24 : vector<16xf32> to vector<16xf32>
    tpu.vector_store %arg5[%swap3A_25], %swap3A_28 {strides = array<i32>} : memref<128xf32, #tpu.memory_space<vmem>>, vector<16xf32>,
    %broadcast_in_dim3A_29 = arith.constant 1.000000e+00 : f32
    %broadcast_in_dim3A_30 = vector.broadcast %broadcast_in_dim3A_29 : f32 to vector<16xf32>
    %swap3A_31 = arith.constant 64 : index
    %swap3A_32 = tpu.vector_load %arg5[%swap3A_31] {strides = array<i32>} : memref<128xf32, #tpu.memory_space<vmem>>, vector<16xf32>,
    %swap3A_33 = vector.shape_cast %swap3A_32 : vector<16xf32> to vector<16xf32>
    %swap3A_34 = vector.shape_cast %broadcast_in_dim3A_30 : vector<16xf32> to vector<16xf32>
    tpu.vector_store %arg5[%swap3A_31], %swap3A_34 {strides = array<i32>} : memref<128xf32, #tpu.memory_space<vmem>>, vector<16xf32>,
    %broadcast_in_dim3A_35 = arith.constant 1.000000e+00 : f32
    %broadcast_in_dim3A_36 = vector.broadcast %broadcast_in_dim3A_35 : f32 to vector<16xf32>
    %swap3A_37 = arith.constant 80 : index
    %swap3A_38 = tpu.vector_load %arg5[%swap3A_37] {strides = array<i32>} : memref<128xf32, #tpu.memory_space<vmem>>, vector<16xf32>,
    %swap3A_39 = vector.shape_cast %swap3A_38 : vector<16xf32> to vector<16xf32>
    %swap3A_40 = vector.shape_cast %broadcast_in_dim3A_36 : vector<16xf32> to vector<16xf32>
    tpu.vector_store %arg5[%swap3A_37], %swap3A_40 {strides = array<i32>} : memref<128xf32, #tpu.memory_space<vmem>>, vector<16xf32>,
    %broadcast_in_dim3A_41 = arith.constant 1.000000e+00 : f32
    %broadcast_in_dim3A_42 = vector.broadcast %broadcast_in_dim3A_41 : f32 to vector<16xf32>
    %swap3A_43 = arith.constant 96 : index
    %swap3A_44 = tpu.vector_load %arg5[%swap3A_43] {strides = array<i32>} : memref<128xf32, #tpu.memory_space<vmem>>, vector<16xf32>,
    %swap3A_45 = vector.shape_cast %swap3A_44 : vector<16xf32> to vector<16xf32>
    %swap3A_46 = vector.shape_cast %broadcast_in_dim3A_42 : vector<16xf32> to vector<16xf32>
    tpu.vector_store %arg5[%swap3A_43], %swap3A_46 {strides = array<i32>} : memref<128xf32, #tpu.memory_space<vmem>>, vector<16xf32>,
    %broadcast_in_dim3A_47 = arith.constant 1.000000e+00 : f32
    %broadcast_in_dim3A_48 = vector.broadcast %broadcast_in_dim3A_47 : f32 to vector<16xf32>
    %swap3A_49 = arith.constant 112 : index
    %swap3A_50 = tpu.vector_load %arg5[%swap3A_49] {strides = array<i32>} : memref<128xf32, #tpu.memory_space<vmem>>, vector<16xf32>,
    %swap3A_51 = vector.shape_cast %swap3A_50 : vector<16xf32> to vector<16xf32>
    %swap3A_52 = vector.shape_cast %broadcast_in_dim3A_48 : vector<16xf32> to vector<16xf32>
    tpu.vector_store %arg5[%swap3A_49], %swap3A_52 {strides = array<i32>} : memref<128xf32, #tpu.memory_space<vmem>>, vector<16xf32>,
    %mul3A_53 = arith.constant 640 : i32
    %mul3A_54 = arith.muli %arg1, %mul3A_53 : i32
    "tpu.region"() ({
      %run_scoped3A = tpu.sem_alloc : memref<!tpu.dma_semaphore, #tpu.memory_space<semaphore_mem>>
      %dma_start3A = tpu.memref_slice %arg7[%mul3A_54] : memref<10240xf32, #tpu.memory_space<vmem_shared>> -> memref<640xf32, #tpu.memory_space<vmem_shared>>
      %dma_start3A_67 = tpu.memref_slice %arg7[%mul3A_54] : memref<10240xf32, #tpu.memory_space<vmem_shared>> -> memref<640xf32, #tpu.memory_space<vmem_shared>>
      tpu.enqueue_dma source(%arg6 : memref<640xf32, #tpu.memory_space<vmem>>) target(%dma_start3A_67 : memref<640xf32, #tpu.memory_space<vmem_shared>>) target_semaphore(%run_scoped3A : memref<!tpu.dma_semaphore, #tpu.memory_space<semaphore_mem>>)
      %dma_wait3A = tpu.memref_slice %arg7[%mul3A_54] : memref<10240xf32, #tpu.memory_space<vmem_shared>> -> memref<640xf32, #tpu.memory_space<vmem_shared>>
      %dma_wait3A_68 = tpu.memref_slice %arg7[%mul3A_54] : memref<10240xf32, #tpu.memory_space<vmem_shared>> -> memref<640xf32, #tpu.memory_space<vmem_shared>>
      tpu.wait_dma2 semaphore(%run_scoped3A : memref<!tpu.dma_semaphore, #tpu.memory_space<semaphore_mem>>) src(%arg6 : memref<640xf32, #tpu.memory_space<vmem>>) dst(%dma_wait3A_68 : memref<640xf32, #tpu.memory_space<vmem_shared>>)
      tpu.yield
    }) : () -> ()
    "tpu.region"() ({
      %run_scoped3A = tpu.sem_alloc : memref<!tpu.dma_semaphore, #tpu.memory_space<semaphore_mem>>
      %dma_start3A = arith.constant 0 : i32
      %dma_start3A_67 = arith.constant 0 : i32
      %dma_start3A_68 = tpu.memref_slice %arg2[%add3A, %dma_start3A, %dma_start3A_67] : memref<32x81x128xi32, #tpu.memory_space<hbm>> -> memref<1x81x128xi32, #tpu.memory_space<hbm>>
      %dma_start3A_69 = tpu.memref_squeeze %dma_start3A_68 : memref<1x81x128xi32, #tpu.memory_space<hbm>> -> memref<81x128xi32, #tpu.memory_space<hbm>>
      %dma_start3A_70 = arith.constant 0 : i32
      %dma_start3A_71 = arith.constant 0 : i32
      %dma_start3A_72 = tpu.memref_slice %arg2[%add3A, %dma_start3A_70, %dma_start3A_71] : memref<32x81x128xi32, #tpu.memory_space<hbm>> -> memref<1x81x128xi32, #tpu.memory_space<hbm>>
      %dma_start3A_73 = tpu.memref_squeeze %dma_start3A_72 : memref<1x81x128xi32, #tpu.memory_space<hbm>> -> memref<81x128xi32, #tpu.memory_space<hbm>>
      tpu.enqueue_dma source(%dma_start3A_73 : memref<81x128xi32, #tpu.memory_space<hbm>>) target(%arg4 : memref<81x128xi32, #tpu.memory_space<vmem>>) target_semaphore(%run_scoped3A : memref<!tpu.dma_semaphore, #tpu.memory_space<semaphore_mem>>)
      %dma_wait3A = arith.constant 0 : i32
      %dma_wait3A_74 = arith.constant 0 : i32
      %dma_wait3A_75 = tpu.memref_slice %arg2[%add3A, %dma_wait3A, %dma_wait3A_74] : memref<32x81x128xi32, #tpu.memory_space<hbm>> -> memref<1x81x128xi32, #tpu.memory_space<hbm>>
      %dma_wait3A_76 = tpu.memref_squeeze %dma_wait3A_75 : memref<1x81x128xi32, #tpu.memory_space<hbm>> -> memref<81x128xi32, #tpu.memory_space<hbm>>
      %dma_wait3A_77 = arith.constant 0 : i32
      %dma_wait3A_78 = arith.constant 0 : i32
      %dma_wait3A_79 = tpu.memref_slice %arg2[%add3A, %dma_wait3A_77, %dma_wait3A_78] : memref<32x81x128xi32, #tpu.memory_space<hbm>> -> memref<1x81x128xi32, #tpu.memory_space<hbm>>
      %dma_wait3A_80 = tpu.memref_squeeze %dma_wait3A_79 : memref<1x81x128xi32, #tpu.memory_space<hbm>> -> memref<81x128xi32, #tpu.memory_space<hbm>>
      tpu.wait_dma2 semaphore(%run_scoped3A : memref<!tpu.dma_semaphore, #tpu.memory_space<semaphore_mem>>) src(%dma_wait3A_80 : memref<81x128xi32, #tpu.memory_space<hbm>>) dst(%arg4 : memref<81x128xi32, #tpu.memory_space<vmem>>)
      tpu.yield
    }) : () -> ()
    %barrier3A = arith.constant 0 : index
    tpu.barrier barrier_id(%barrier3A)
    %scan3A_55 = arith.constant 0 : i32
    %scan3A_56 = arith.constant 0 : i32
    %scan3A_57 = arith.constant 81 : i32
    %scan3A_58 = arith.addi %scan3A_56, %scan3A_57 : i32
    %scan3A_59 = arith.constant 1 : i32
    %scan3A_60 = scf.for %scan3A_67 = %scan3A_56 to %scan3A_58 step %scan3A_59 iter_args(%scan3A_68 = %scan3A_55) -> (i32)  : i32 {
      "tpu.region"() ({
        %run_scoped3A = tpu.sem_alloc : memref<!tpu.dma_semaphore, #tpu.memory_space<semaphore_mem>>
        %dma_start3A = arith.constant 0 : i32
        %dma_start3A_70 = tpu.memref_slice %arg4[%scan3A_67, %dma_start3A] : memref<81x128xi32, #tpu.memory_space<vmem>> -> memref<1x128xi32, #tpu.memory_space<vmem>>
        %dma_start3A_71 = tpu.memref_squeeze %dma_start3A_70 : memref<1x128xi32, #tpu.memory_space<vmem>> -> memref<128xi32, #tpu.memory_space<vmem>>
        %dma_start3A_72 = arith.constant 0 : i32
        %dma_start3A_73 = tpu.memref_slice %arg7[%dma_start3A_72] : memref<10240xf32, #tpu.memory_space<vmem_shared>> -> memref<10240xf32, #tpu.memory_space<vmem_shared>>
        tpu.enqueue_indirect_dma source(%arg5 : memref<128xf32, #tpu.memory_space<vmem>>) target(%dma_start3A_73 : memref<10240xf32, #tpu.memory_space<vmem_shared>>) offsets(%dma_start3A_71 : memref<128xi32, #tpu.memory_space<vmem>>) semaphore(%run_scoped3A : memref<!tpu.dma_semaphore, #tpu.memory_space<semaphore_mem>>) {add = true}
        %dma_wait3A = arith.constant 0 : i32
        %dma_wait3A_74 = tpu.memref_slice %arg4[%scan3A_67, %dma_wait3A] : memref<81x128xi32, #tpu.memory_space<vmem>> -> memref<1x128xi32, #tpu.memory_space<vmem>>
        %dma_wait3A_75 = tpu.memref_squeeze %dma_wait3A_74 : memref<1x128xi32, #tpu.memory_space<vmem>> -> memref<128xi32, #tpu.memory_space<vmem>>
        %dma_wait3A_76 = arith.constant 0 : i32
        %dma_wait3A_77 = tpu.memref_slice %arg7[%dma_wait3A_76] : memref<10240xf32, #tpu.memory_space<vmem_shared>> -> memref<10240xf32, #tpu.memory_space<vmem_shared>>
        tpu.wait_indirect_dma semaphore(%run_scoped3A : memref<!tpu.dma_semaphore, #tpu.memory_space<semaphore_mem>>) src(%arg5 : memref<128xf32, #tpu.memory_space<vmem>>) dst(%dma_wait3A_77 : memref<10240xf32, #tpu.memory_space<vmem_shared>>)
        tpu.yield
      }) : () -> ()
      %scan3A_69 = arith.constant 0 : i32
      scf.yield %scan3A_69 : i32
    }
    %scan3A_61 = arith.constant 81 : i32
    %barrier3A_62 = arith.constant 0 : index
    tpu.barrier barrier_id(%barrier3A_62)
    %mul3A_63 = arith.constant 640 : i32
    %mul3A_64 = arith.muli %arg1, %mul3A_63 : i32
    %mul3A_65 = arith.constant 640 : i32
    %mul3A_66 = arith.muli %arg1, %mul3A_65 : i32
    "tpu.region"() ({
      %run_scoped3A = tpu.sem_alloc : memref<!tpu.dma_semaphore, #tpu.memory_space<semaphore_mem>>
      %dma_start3A = tpu.memref_slice %arg3[%arg0, %mul3A_66] : memref<2x10240xf32, #tpu.memory_space<hbm>> -> memref<1x640xf32, #tpu.memory_space<hbm>>
      %dma_start3A_67 = tpu.memref_squeeze %dma_start3A : memref<1x640xf32, #tpu.memory_space<hbm>> -> memref<640xf32, #tpu.memory_space<hbm>>
      %dma_start3A_68 = tpu.memref_slice %arg7[%mul3A_64] : memref<10240xf32, #tpu.memory_space<vmem_shared>> -> memref<640xf32, #tpu.memory_space<vmem_shared>>
      tpu.enqueue_dma source(%dma_start3A_68 : memref<640xf32, #tpu.memory_space<vmem_shared>>) target(%dma_start3A_67 : memref<640xf32, #tpu.memory_space<hbm>>) target_semaphore(%run_scoped3A : memref<!tpu.dma_semaphore, #tpu.memory_space<semaphore_mem>>)
      %dma_wait3A = tpu.memref_slice %arg3[%arg0, %mul3A_66] : memref<2x10240xf32, #tpu.memory_space<hbm>> -> memref<1x640xf32, #tpu.memory_space<hbm>>
      %dma_wait3A_69 = tpu.memref_squeeze %dma_wait3A : memref<1x640xf32, #tpu.memory_space<hbm>> -> memref<640xf32, #tpu.memory_space<hbm>>
      %dma_wait3A_70 = tpu.memref_slice %arg7[%mul3A_64] : memref<10240xf32, #tpu.memory_space<vmem_shared>> -> memref<640xf32, #tpu.memory_space<vmem_shared>>
      tpu.wait_dma2 semaphore(%run_scoped3A : memref<!tpu.dma_semaphore, #tpu.memory_space<semaphore_mem>>) src(%dma_wait3A_70 : memref<640xf32, #tpu.memory_space<vmem_shared>>) dst(%dma_wait3A_69 : memref<640xf32, #tpu.memory_space<hbm>>)
      tpu.yield
    }) : () -> ()
    return
  }
}

#map = affine_map<(d0, d1) -> (0, 0)>
#map1 = affine_map<(d0, d1) -> (0, 0, 0)>
module attributes {stable_mosaic.version = 14 : i64} {
  func.func @k(%arg0: i32, %arg1: i32, %arg2: memref<10000x128xf32, #tpu.memory_space<hbm>>, %arg3: memref<32x81x128xi32, #tpu.memory_space<hbm>>, %arg4: memref<32x81x128xi32, #tpu.memory_space<hbm>>, %arg5: memref<2x10240x128xf32, #tpu.memory_space<hbm>>, %arg6: memref<81x128xi32, #tpu.memory_space<vmem>>, %arg7: memref<81x128xi32, #tpu.memory_space<vmem>>, %arg8: memref<128x128xf32, #tpu.memory_space<vmem>>, %arg9: memref<10240x128xf32, #tpu.memory_space<vmem_shared>>, %arg10: memref<!tpu.dma_semaphore, #tpu.memory_space<semaphore_mem>>) attributes {dimension_semantics = [#tpu.dimension_semantics<core_parallel>, #tpu.dimension_semantics<subcore_parallel>], iteration_bounds = array<i64: 2, 16>, scalar_prefetch = 0 : i64, scratch_operands = 5 : i64, tpu.core_type = #tpu.core_type<sc_vector_subcore>, window_params = [{transform_indices = #map}, {transform_indices = #map1}, {transform_indices = #map1}, {transform_indices = #map1}]} {
    %mul3A = arith.constant 16 : i32
    %mul3A_0 = arith.muli %arg0, %mul3A : i32
    %add3A = arith.addi %mul3A_0, %arg1 : i32
    %eq3A = arith.constant 0 : i32
    %eq3A_1 = arith.cmpi eq, %arg0, %eq3A : i32
    %convert_element_type3A = arith.extui %eq3A_1 : i1 to i32
    %cond3A = arith.constant 0 : i32
    %cond3A_2 = arith.cmpi ne, %convert_element_type3A, %cond3A : i32
    scf.if %cond3A_2 {
      %mul3A_45 = arith.constant 624 : i32
      %mul3A_46 = arith.muli %arg1, %mul3A_45 : i32
      %mul3A_47 = arith.constant 624 : i32
      %mul3A_48 = arith.muli %arg1, %mul3A_47 : i32
      "tpu.region"() ({
        %run_scoped3A = tpu.sem_alloc : memref<!tpu.dma_semaphore, #tpu.memory_space<semaphore_mem>>
        %dma_start3A = arith.constant 0 : i32
        %dma_start3A_54 = tpu.memref_slice %arg9[%mul3A_48, %dma_start3A] : memref<10240x128xf32, #tpu.memory_space<vmem_shared>> -> memref<624x128xf32, #tpu.memory_space<vmem_shared>>
        %dma_start3A_55 = arith.constant 0 : i32
        %dma_start3A_56 = tpu.memref_slice %arg2[%mul3A_46, %dma_start3A_55] : memref<10000x128xf32, #tpu.memory_space<hbm>> -> memref<624x128xf32, #tpu.memory_space<hbm>>
        tpu.enqueue_dma source(%dma_start3A_56 : memref<624x128xf32, #tpu.memory_space<hbm>>) target(%dma_start3A_54 : memref<624x128xf32, #tpu.memory_space<vmem_shared>>) target_semaphore(%run_scoped3A : memref<!tpu.dma_semaphore, #tpu.memory_space<semaphore_mem>>)
        %dma_wait3A = arith.constant 0 : i32
        %dma_wait3A_57 = tpu.memref_slice %arg9[%mul3A_48, %dma_wait3A] : memref<10240x128xf32, #tpu.memory_space<vmem_shared>> -> memref<624x128xf32, #tpu.memory_space<vmem_shared>>
        %dma_wait3A_58 = arith.constant 0 : i32
        %dma_wait3A_59 = tpu.memref_slice %arg2[%mul3A_46, %dma_wait3A_58] : memref<10000x128xf32, #tpu.memory_space<hbm>> -> memref<624x128xf32, #tpu.memory_space<hbm>>
        tpu.wait_dma2 semaphore(%run_scoped3A : memref<!tpu.dma_semaphore, #tpu.memory_space<semaphore_mem>>) src(%dma_wait3A_59 : memref<624x128xf32, #tpu.memory_space<hbm>>) dst(%dma_wait3A_57 : memref<624x128xf32, #tpu.memory_space<vmem_shared>>)
        tpu.yield
      }) : () -> ()
      %eq3A_49 = arith.constant 0 : i32
      %eq3A_50 = arith.cmpi eq, %arg1, %eq3A_49 : i32
      %convert_element_type3A_51 = arith.extui %eq3A_50 : i1 to i32
      %cond3A_52 = arith.constant 0 : i32
      %cond3A_53 = arith.cmpi ne, %convert_element_type3A_51, %cond3A_52 : i32
      scf.if %cond3A_53 {
        "tpu.region"() ({
          %run_scoped3A = tpu.sem_alloc : memref<!tpu.dma_semaphore, #tpu.memory_space<semaphore_mem>>
          %dma_start3A = arith.constant 9984 : i32
          %dma_start3A_54 = arith.constant 0 : i32
          %dma_start3A_55 = tpu.memref_slice %arg9[%dma_start3A, %dma_start3A_54] : memref<10240x128xf32, #tpu.memory_space<vmem_shared>> -> memref<16x128xf32, #tpu.memory_space<vmem_shared>>
          %dma_start3A_56 = arith.constant 9984 : i32
          %dma_start3A_57 = arith.constant 0 : i32
          %dma_start3A_58 = tpu.memref_slice %arg2[%dma_start3A_56, %dma_start3A_57] : memref<10000x128xf32, #tpu.memory_space<hbm>> -> memref<16x128xf32, #tpu.memory_space<hbm>>
          tpu.enqueue_dma source(%dma_start3A_58 : memref<16x128xf32, #tpu.memory_space<hbm>>) target(%dma_start3A_55 : memref<16x128xf32, #tpu.memory_space<vmem_shared>>) target_semaphore(%run_scoped3A : memref<!tpu.dma_semaphore, #tpu.memory_space<semaphore_mem>>)
          %dma_wait3A = arith.constant 9984 : i32
          %dma_wait3A_59 = arith.constant 0 : i32
          %dma_wait3A_60 = tpu.memref_slice %arg9[%dma_wait3A, %dma_wait3A_59] : memref<10240x128xf32, #tpu.memory_space<vmem_shared>> -> memref<16x128xf32, #tpu.memory_space<vmem_shared>>
          %dma_wait3A_61 = arith.constant 9984 : i32
          %dma_wait3A_62 = arith.constant 0 : i32
          %dma_wait3A_63 = tpu.memref_slice %arg2[%dma_wait3A_61, %dma_wait3A_62] : memref<10000x128xf32, #tpu.memory_space<hbm>> -> memref<16x128xf32, #tpu.memory_space<hbm>>
          tpu.wait_dma2 semaphore(%run_scoped3A : memref<!tpu.dma_semaphore, #tpu.memory_space<semaphore_mem>>) src(%dma_wait3A_63 : memref<16x128xf32, #tpu.memory_space<hbm>>) dst(%dma_wait3A_60 : memref<16x128xf32, #tpu.memory_space<vmem_shared>>)
          tpu.yield
        }) : () -> ()
      } else {
      }
    } else {
    }
    %eq3A_3 = arith.constant 1 : i32
    %eq3A_4 = arith.cmpi eq, %arg0, %eq3A_3 : i32
    %convert_element_type3A_5 = arith.extui %eq3A_4 : i1 to i32
    %cond3A_6 = arith.constant 0 : i32
    %cond3A_7 = arith.cmpi ne, %convert_element_type3A_5, %cond3A_6 : i32
    scf.if %cond3A_7 {
      %scan3A_45 = arith.constant 0 : i32
      %scan3A_46 = arith.constant 0 : i32
      %scan3A_47 = arith.constant 128 : i32
      %scan3A_48 = arith.addi %scan3A_46, %scan3A_47 : i32
      %scan3A_49 = arith.constant 1 : i32
      %scan3A_50 = scf.for %scan3A_82 = %scan3A_46 to %scan3A_48 step %scan3A_49 iter_args(%scan3A_83 = %scan3A_45) -> (i32)  : i32 {
        %broadcast_in_dim3A = arith.constant 0.000000e+00 : f32
        %broadcast_in_dim3A_84 = vector.broadcast %broadcast_in_dim3A : f32 to vector<16xf32>
        %swap3A = arith.index_cast %scan3A_82 : i32 to index
        %swap3A_85 = arith.constant 0 : index
        %swap3A_86 = tpu.vector_load %arg8[%swap3A, %swap3A_85] {strides = array<i32>} : memref<128x128xf32, #tpu.memory_space<vmem>>, vector<1x16xf32>,
        %swap3A_87 = vector.shape_cast %swap3A_86 : vector<1x16xf32> to vector<16xf32>
        %swap3A_88 = vector.shape_cast %broadcast_in_dim3A_84 : vector<16xf32> to vector<1x16xf32>
        tpu.vector_store %arg8[%swap3A, %swap3A_85], %swap3A_88 {strides = array<i32>} : memref<128x128xf32, #tpu.memory_space<vmem>>, vector<1x16xf32>,
        %broadcast_in_dim3A_89 = arith.constant 0.000000e+00 : f32
        %broadcast_in_dim3A_90 = vector.broadcast %broadcast_in_dim3A_89 : f32 to vector<16xf32>
        %swap3A_91 = arith.index_cast %scan3A_82 : i32 to index
        %swap3A_92 = arith.constant 16 : index
        %swap3A_93 = tpu.vector_load %arg8[%swap3A_91, %swap3A_92] {strides = array<i32>} : memref<128x128xf32, #tpu.memory_space<vmem>>, vector<1x16xf32>,
        %swap3A_94 = vector.shape_cast %swap3A_93 : vector<1x16xf32> to vector<16xf32>
        %swap3A_95 = vector.shape_cast %broadcast_in_dim3A_90 : vector<16xf32> to vector<1x16xf32>
        tpu.vector_store %arg8[%swap3A_91, %swap3A_92], %swap3A_95 {strides = array<i32>} : memref<128x128xf32, #tpu.memory_space<vmem>>, vector<1x16xf32>,
        %broadcast_in_dim3A_96 = arith.constant 0.000000e+00 : f32
        %broadcast_in_dim3A_97 = vector.broadcast %broadcast_in_dim3A_96 : f32 to vector<16xf32>
        %swap3A_98 = arith.index_cast %scan3A_82 : i32 to index
        %swap3A_99 = arith.constant 32 : index
        %swap3A_100 = tpu.vector_load %arg8[%swap3A_98, %swap3A_99] {strides = array<i32>} : memref<128x128xf32, #tpu.memory_space<vmem>>, vector<1x16xf32>,
        %swap3A_101 = vector.shape_cast %swap3A_100 : vector<1x16xf32> to vector<16xf32>
        %swap3A_102 = vector.shape_cast %broadcast_in_dim3A_97 : vector<16xf32> to vector<1x16xf32>
        tpu.vector_store %arg8[%swap3A_98, %swap3A_99], %swap3A_102 {strides = array<i32>} : memref<128x128xf32, #tpu.memory_space<vmem>>, vector<1x16xf32>,
        %broadcast_in_dim3A_103 = arith.constant 0.000000e+00 : f32
        %broadcast_in_dim3A_104 = vector.broadcast %broadcast_in_dim3A_103 : f32 to vector<16xf32>
        %swap3A_105 = arith.index_cast %scan3A_82 : i32 to index
        %swap3A_106 = arith.constant 48 : index
        %swap3A_107 = tpu.vector_load %arg8[%swap3A_105, %swap3A_106] {strides = array<i32>} : memref<128x128xf32, #tpu.memory_space<vmem>>, vector<1x16xf32>,
        %swap3A_108 = vector.shape_cast %swap3A_107 : vector<1x16xf32> to vector<16xf32>
        %swap3A_109 = vector.shape_cast %broadcast_in_dim3A_104 : vector<16xf32> to vector<1x16xf32>
        tpu.vector_store %arg8[%swap3A_105, %swap3A_106], %swap3A_109 {strides = array<i32>} : memref<128x128xf32, #tpu.memory_space<vmem>>, vector<1x16xf32>,
        %broadcast_in_dim3A_110 = arith.constant 0.000000e+00 : f32
        %broadcast_in_dim3A_111 = vector.broadcast %broadcast_in_dim3A_110 : f32 to vector<16xf32>
        %swap3A_112 = arith.index_cast %scan3A_82 : i32 to index
        %swap3A_113 = arith.constant 64 : index
        %swap3A_114 = tpu.vector_load %arg8[%swap3A_112, %swap3A_113] {strides = array<i32>} : memref<128x128xf32, #tpu.memory_space<vmem>>, vector<1x16xf32>,
        %swap3A_115 = vector.shape_cast %swap3A_114 : vector<1x16xf32> to vector<16xf32>
        %swap3A_116 = vector.shape_cast %broadcast_in_dim3A_111 : vector<16xf32> to vector<1x16xf32>
        tpu.vector_store %arg8[%swap3A_112, %swap3A_113], %swap3A_116 {strides = array<i32>} : memref<128x128xf32, #tpu.memory_space<vmem>>, vector<1x16xf32>,
        %broadcast_in_dim3A_117 = arith.constant 0.000000e+00 : f32
        %broadcast_in_dim3A_118 = vector.broadcast %broadcast_in_dim3A_117 : f32 to vector<16xf32>
        %swap3A_119 = arith.index_cast %scan3A_82 : i32 to index
        %swap3A_120 = arith.constant 80 : index
        %swap3A_121 = tpu.vector_load %arg8[%swap3A_119, %swap3A_120] {strides = array<i32>} : memref<128x128xf32, #tpu.memory_space<vmem>>, vector<1x16xf32>,
        %swap3A_122 = vector.shape_cast %swap3A_121 : vector<1x16xf32> to vector<16xf32>
        %swap3A_123 = vector.shape_cast %broadcast_in_dim3A_118 : vector<16xf32> to vector<1x16xf32>
        tpu.vector_store %arg8[%swap3A_119, %swap3A_120], %swap3A_123 {strides = array<i32>} : memref<128x128xf32, #tpu.memory_space<vmem>>, vector<1x16xf32>,
        %broadcast_in_dim3A_124 = arith.constant 0.000000e+00 : f32
        %broadcast_in_dim3A_125 = vector.broadcast %broadcast_in_dim3A_124 : f32 to vector<16xf32>
        %swap3A_126 = arith.index_cast %scan3A_82 : i32 to index
        %swap3A_127 = arith.constant 96 : index
        %swap3A_128 = tpu.vector_load %arg8[%swap3A_126, %swap3A_127] {strides = array<i32>} : memref<128x128xf32, #tpu.memory_space<vmem>>, vector<1x16xf32>,
        %swap3A_129 = vector.shape_cast %swap3A_128 : vector<1x16xf32> to vector<16xf32>
        %swap3A_130 = vector.shape_cast %broadcast_in_dim3A_125 : vector<16xf32> to vector<1x16xf32>
        tpu.vector_store %arg8[%swap3A_126, %swap3A_127], %swap3A_130 {strides = array<i32>} : memref<128x128xf32, #tpu.memory_space<vmem>>, vector<1x16xf32>,
        %broadcast_in_dim3A_131 = arith.constant 0.000000e+00 : f32
        %broadcast_in_dim3A_132 = vector.broadcast %broadcast_in_dim3A_131 : f32 to vector<16xf32>
        %swap3A_133 = arith.index_cast %scan3A_82 : i32 to index
        %swap3A_134 = arith.constant 112 : index
        %swap3A_135 = tpu.vector_load %arg8[%swap3A_133, %swap3A_134] {strides = array<i32>} : memref<128x128xf32, #tpu.memory_space<vmem>>, vector<1x16xf32>,
        %swap3A_136 = vector.shape_cast %swap3A_135 : vector<1x16xf32> to vector<16xf32>
        %swap3A_137 = vector.shape_cast %broadcast_in_dim3A_132 : vector<16xf32> to vector<1x16xf32>
        tpu.vector_store %arg8[%swap3A_133, %swap3A_134], %swap3A_137 {strides = array<i32>} : memref<128x128xf32, #tpu.memory_space<vmem>>, vector<1x16xf32>,
        %scan3A_138 = arith.constant 0 : i32
        scf.yield %scan3A_138 : i32
      }
      %scan3A_51 = arith.constant 128 : i32
      %mul3A_52 = arith.constant 5 : i32
      %mul3A_53 = arith.muli %arg1, %mul3A_52 : i32
      %add3A_54 = arith.constant 0 : i32
      %add3A_55 = arith.addi %mul3A_53, %add3A_54 : i32
      %mul3A_56 = arith.constant 128 : i32
      %mul3A_57 = arith.muli %add3A_55, %mul3A_56 : i32
      "tpu.region"() ({
        %run_scoped3A = tpu.sem_alloc : memref<!tpu.dma_semaphore, #tpu.memory_space<semaphore_mem>>
        %dma_start3A = arith.constant 0 : i32
        %dma_start3A_82 = tpu.memref_slice %arg9[%mul3A_57, %dma_start3A] : memref<10240x128xf32, #tpu.memory_space<vmem_shared>> -> memref<128x128xf32, #tpu.memory_space<vmem_shared>>
        %dma_start3A_83 = arith.constant 0 : i32
        %dma_start3A_84 = tpu.memref_slice %arg9[%mul3A_57, %dma_start3A_83] : memref<10240x128xf32, #tpu.memory_space<vmem_shared>> -> memref<128x128xf32, #tpu.memory_space<vmem_shared>>
        tpu.enqueue_dma source(%arg8 : memref<128x128xf32, #tpu.memory_space<vmem>>) target(%dma_start3A_84 : memref<128x128xf32, #tpu.memory_space<vmem_shared>>) target_semaphore(%run_scoped3A : memref<!tpu.dma_semaphore, #tpu.memory_space<semaphore_mem>>)
        %dma_wait3A = arith.constant 0 : i32
        %dma_wait3A_85 = tpu.memref_slice %arg9[%mul3A_57, %dma_wait3A] : memref<10240x128xf32, #tpu.memory_space<vmem_shared>> -> memref<128x128xf32, #tpu.memory_space<vmem_shared>>
        %dma_wait3A_86 = arith.constant 0 : i32
        %dma_wait3A_87 = tpu.memref_slice %arg9[%mul3A_57, %dma_wait3A_86] : memref<10240x128xf32, #tpu.memory_space<vmem_shared>> -> memref<128x128xf32, #tpu.memory_space<vmem_shared>>
        tpu.wait_dma2 semaphore(%run_scoped3A : memref<!tpu.dma_semaphore, #tpu.memory_space<semaphore_mem>>) src(%arg8 : memref<128x128xf32, #tpu.memory_space<vmem>>) dst(%dma_wait3A_87 : memref<128x128xf32, #tpu.memory_space<vmem_shared>>)
        tpu.yield
      }) : () -> ()
      %mul3A_58 = arith.constant 5 : i32
      %mul3A_59 = arith.muli %arg1, %mul3A_58 : i32
      %add3A_60 = arith.constant 1 : i32
      %add3A_61 = arith.addi %mul3A_59, %add3A_60 : i32
      %mul3A_62 = arith.constant 128 : i32
      %mul3A_63 = arith.muli %add3A_61, %mul3A_62 : i32
      "tpu.region"() ({
        %run_scoped3A = tpu.sem_alloc : memref<!tpu.dma_semaphore, #tpu.memory_space<semaphore_mem>>
        %dma_start3A = arith.constant 0 : i32
        %dma_start3A_82 = tpu.memref_slice %arg9[%mul3A_63, %dma_start3A] : memref<10240x128xf32, #tpu.memory_space<vmem_shared>> -> memref<128x128xf32, #tpu.memory_space<vmem_shared>>
        %dma_start3A_83 = arith.constant 0 : i32
        %dma_start3A_84 = tpu.memref_slice %arg9[%mul3A_63, %dma_start3A_83] : memref<10240x128xf32, #tpu.memory_space<vmem_shared>> -> memref<128x128xf32, #tpu.memory_space<vmem_shared>>
        tpu.enqueue_dma source(%arg8 : memref<128x128xf32, #tpu.memory_space<vmem>>) target(%dma_start3A_84 : memref<128x128xf32, #tpu.memory_space<vmem_shared>>) target_semaphore(%run_scoped3A : memref<!tpu.dma_semaphore, #tpu.memory_space<semaphore_mem>>)
        %dma_wait3A = arith.constant 0 : i32
        %dma_wait3A_85 = tpu.memref_slice %arg9[%mul3A_63, %dma_wait3A] : memref<10240x128xf32, #tpu.memory_space<vmem_shared>> -> memref<128x128xf32, #tpu.memory_space<vmem_shared>>
        %dma_wait3A_86 = arith.constant 0 : i32
        %dma_wait3A_87 = tpu.memref_slice %arg9[%mul3A_63, %dma_wait3A_86] : memref<10240x128xf32, #tpu.memory_space<vmem_shared>> -> memref<128x128xf32, #tpu.memory_space<vmem_shared>>
        tpu.wait_dma2 semaphore(%run_scoped3A : memref<!tpu.dma_semaphore, #tpu.memory_space<semaphore_mem>>) src(%arg8 : memref<128x128xf32, #tpu.memory_space<vmem>>) dst(%dma_wait3A_87 : memref<128x128xf32, #tpu.memory_space<vmem_shared>>)
        tpu.yield
      }) : () -> ()
      %mul3A_64 = arith.constant 5 : i32
      %mul3A_65 = arith.muli %arg1, %mul3A_64 : i32
      %add3A_66 = arith.constant 2 : i32
      %add3A_67 = arith.addi %mul3A_65, %add3A_66 : i32
      %mul3A_68 = arith.constant 128 : i32
      %mul3A_69 = arith.muli %add3A_67, %mul3A_68 : i32
      "tpu.region"() ({
        %run_scoped3A = tpu.sem_alloc : memref<!tpu.dma_semaphore, #tpu.memory_space<semaphore_mem>>
        %dma_start3A = arith.constant 0 : i32
        %dma_start3A_82 = tpu.memref_slice %arg9[%mul3A_69, %dma_start3A] : memref<10240x128xf32, #tpu.memory_space<vmem_shared>> -> memref<128x128xf32, #tpu.memory_space<vmem_shared>>
        %dma_start3A_83 = arith.constant 0 : i32
        %dma_start3A_84 = tpu.memref_slice %arg9[%mul3A_69, %dma_start3A_83] : memref<10240x128xf32, #tpu.memory_space<vmem_shared>> -> memref<128x128xf32, #tpu.memory_space<vmem_shared>>
        tpu.enqueue_dma source(%arg8 : memref<128x128xf32, #tpu.memory_space<vmem>>) target(%dma_start3A_84 : memref<128x128xf32, #tpu.memory_space<vmem_shared>>) target_semaphore(%run_scoped3A : memref<!tpu.dma_semaphore, #tpu.memory_space<semaphore_mem>>)
        %dma_wait3A = arith.constant 0 : i32
        %dma_wait3A_85 = tpu.memref_slice %arg9[%mul3A_69, %dma_wait3A] : memref<10240x128xf32, #tpu.memory_space<vmem_shared>> -> memref<128x128xf32, #tpu.memory_space<vmem_shared>>
        %dma_wait3A_86 = arith.constant 0 : i32
        %dma_wait3A_87 = tpu.memref_slice %arg9[%mul3A_69, %dma_wait3A_86] : memref<10240x128xf32, #tpu.memory_space<vmem_shared>> -> memref<128x128xf32, #tpu.memory_space<vmem_shared>>
        tpu.wait_dma2 semaphore(%run_scoped3A : memref<!tpu.dma_semaphore, #tpu.memory_space<semaphore_mem>>) src(%arg8 : memref<128x128xf32, #tpu.memory_space<vmem>>) dst(%dma_wait3A_87 : memref<128x128xf32, #tpu.memory_space<vmem_shared>>)
        tpu.yield
      }) : () -> ()
      %mul3A_70 = arith.constant 5 : i32
      %mul3A_71 = arith.muli %arg1, %mul3A_70 : i32
      %add3A_72 = arith.constant 3 : i32
      %add3A_73 = arith.addi %mul3A_71, %add3A_72 : i32
      %mul3A_74 = arith.constant 128 : i32
      %mul3A_75 = arith.muli %add3A_73, %mul3A_74 : i32
      "tpu.region"() ({
        %run_scoped3A = tpu.sem_alloc : memref<!tpu.dma_semaphore, #tpu.memory_space<semaphore_mem>>
        %dma_start3A = arith.constant 0 : i32
        %dma_start3A_82 = tpu.memref_slice %arg9[%mul3A_75, %dma_start3A] : memref<10240x128xf32, #tpu.memory_space<vmem_shared>> -> memref<128x128xf32, #tpu.memory_space<vmem_shared>>
        %dma_start3A_83 = arith.constant 0 : i32
        %dma_start3A_84 = tpu.memref_slice %arg9[%mul3A_75, %dma_start3A_83] : memref<10240x128xf32, #tpu.memory_space<vmem_shared>> -> memref<128x128xf32, #tpu.memory_space<vmem_shared>>
        tpu.enqueue_dma source(%arg8 : memref<128x128xf32, #tpu.memory_space<vmem>>) target(%dma_start3A_84 : memref<128x128xf32, #tpu.memory_space<vmem_shared>>) target_semaphore(%run_scoped3A : memref<!tpu.dma_semaphore, #tpu.memory_space<semaphore_mem>>)
        %dma_wait3A = arith.constant 0 : i32
        %dma_wait3A_85 = tpu.memref_slice %arg9[%mul3A_75, %dma_wait3A] : memref<10240x128xf32, #tpu.memory_space<vmem_shared>> -> memref<128x128xf32, #tpu.memory_space<vmem_shared>>
        %dma_wait3A_86 = arith.constant 0 : i32
        %dma_wait3A_87 = tpu.memref_slice %arg9[%mul3A_75, %dma_wait3A_86] : memref<10240x128xf32, #tpu.memory_space<vmem_shared>> -> memref<128x128xf32, #tpu.memory_space<vmem_shared>>
        tpu.wait_dma2 semaphore(%run_scoped3A : memref<!tpu.dma_semaphore, #tpu.memory_space<semaphore_mem>>) src(%arg8 : memref<128x128xf32, #tpu.memory_space<vmem>>) dst(%dma_wait3A_87 : memref<128x128xf32, #tpu.memory_space<vmem_shared>>)
        tpu.yield
      }) : () -> ()
      %mul3A_76 = arith.constant 5 : i32
      %mul3A_77 = arith.muli %arg1, %mul3A_76 : i32
      %add3A_78 = arith.constant 4 : i32
      %add3A_79 = arith.addi %mul3A_77, %add3A_78 : i32
      %mul3A_80 = arith.constant 128 : i32
      %mul3A_81 = arith.muli %add3A_79, %mul3A_80 : i32
      "tpu.region"() ({
        %run_scoped3A = tpu.sem_alloc : memref<!tpu.dma_semaphore, #tpu.memory_space<semaphore_mem>>
        %dma_start3A = arith.constant 0 : i32
        %dma_start3A_82 = tpu.memref_slice %arg9[%mul3A_81, %dma_start3A] : memref<10240x128xf32, #tpu.memory_space<vmem_shared>> -> memref<128x128xf32, #tpu.memory_space<vmem_shared>>
        %dma_start3A_83 = arith.constant 0 : i32
        %dma_start3A_84 = tpu.memref_slice %arg9[%mul3A_81, %dma_start3A_83] : memref<10240x128xf32, #tpu.memory_space<vmem_shared>> -> memref<128x128xf32, #tpu.memory_space<vmem_shared>>
        tpu.enqueue_dma source(%arg8 : memref<128x128xf32, #tpu.memory_space<vmem>>) target(%dma_start3A_84 : memref<128x128xf32, #tpu.memory_space<vmem_shared>>) target_semaphore(%run_scoped3A : memref<!tpu.dma_semaphore, #tpu.memory_space<semaphore_mem>>)
        %dma_wait3A = arith.constant 0 : i32
        %dma_wait3A_85 = tpu.memref_slice %arg9[%mul3A_81, %dma_wait3A] : memref<10240x128xf32, #tpu.memory_space<vmem_shared>> -> memref<128x128xf32, #tpu.memory_space<vmem_shared>>
        %dma_wait3A_86 = arith.constant 0 : i32
        %dma_wait3A_87 = tpu.memref_slice %arg9[%mul3A_81, %dma_wait3A_86] : memref<10240x128xf32, #tpu.memory_space<vmem_shared>> -> memref<128x128xf32, #tpu.memory_space<vmem_shared>>
        tpu.wait_dma2 semaphore(%run_scoped3A : memref<!tpu.dma_semaphore, #tpu.memory_space<semaphore_mem>>) src(%arg8 : memref<128x128xf32, #tpu.memory_space<vmem>>) dst(%dma_wait3A_87 : memref<128x128xf32, #tpu.memory_space<vmem_shared>>)
        tpu.yield
      }) : () -> ()
    } else {
    }
    "tpu.region"() ({
      %run_scoped3A = tpu.sem_alloc : memref<!tpu.dma_semaphore, #tpu.memory_space<semaphore_mem>>
      %dma_start3A = arith.constant 0 : i32
      %dma_start3A_45 = arith.constant 0 : i32
      %dma_start3A_46 = tpu.memref_slice %arg3[%add3A, %dma_start3A, %dma_start3A_45] : memref<32x81x128xi32, #tpu.memory_space<hbm>> -> memref<1x81x128xi32, #tpu.memory_space<hbm>>
      %dma_start3A_47 = tpu.memref_squeeze %dma_start3A_46 : memref<1x81x128xi32, #tpu.memory_space<hbm>> -> memref<81x128xi32, #tpu.memory_space<hbm>>
      %dma_start3A_48 = arith.constant 0 : i32
      %dma_start3A_49 = arith.constant 0 : i32
      %dma_start3A_50 = tpu.memref_slice %arg3[%add3A, %dma_start3A_48, %dma_start3A_49] : memref<32x81x128xi32, #tpu.memory_space<hbm>> -> memref<1x81x128xi32, #tpu.memory_space<hbm>>
      %dma_start3A_51 = tpu.memref_squeeze %dma_start3A_50 : memref<1x81x128xi32, #tpu.memory_space<hbm>> -> memref<81x128xi32, #tpu.memory_space<hbm>>
      tpu.enqueue_dma source(%dma_start3A_51 : memref<81x128xi32, #tpu.memory_space<hbm>>) target(%arg6 : memref<81x128xi32, #tpu.memory_space<vmem>>) target_semaphore(%run_scoped3A : memref<!tpu.dma_semaphore, #tpu.memory_space<semaphore_mem>>)
      %dma_wait3A = arith.constant 0 : i32
      %dma_wait3A_52 = arith.constant 0 : i32
      %dma_wait3A_53 = tpu.memref_slice %arg3[%add3A, %dma_wait3A, %dma_wait3A_52] : memref<32x81x128xi32, #tpu.memory_space<hbm>> -> memref<1x81x128xi32, #tpu.memory_space<hbm>>
      %dma_wait3A_54 = tpu.memref_squeeze %dma_wait3A_53 : memref<1x81x128xi32, #tpu.memory_space<hbm>> -> memref<81x128xi32, #tpu.memory_space<hbm>>
      %dma_wait3A_55 = arith.constant 0 : i32
      %dma_wait3A_56 = arith.constant 0 : i32
      %dma_wait3A_57 = tpu.memref_slice %arg3[%add3A, %dma_wait3A_55, %dma_wait3A_56] : memref<32x81x128xi32, #tpu.memory_space<hbm>> -> memref<1x81x128xi32, #tpu.memory_space<hbm>>
      %dma_wait3A_58 = tpu.memref_squeeze %dma_wait3A_57 : memref<1x81x128xi32, #tpu.memory_space<hbm>> -> memref<81x128xi32, #tpu.memory_space<hbm>>
      tpu.wait_dma2 semaphore(%run_scoped3A : memref<!tpu.dma_semaphore, #tpu.memory_space<semaphore_mem>>) src(%dma_wait3A_58 : memref<81x128xi32, #tpu.memory_space<hbm>>) dst(%arg6 : memref<81x128xi32, #tpu.memory_space<vmem>>)
      tpu.yield
    }) : () -> ()
    "tpu.region"() ({
      %run_scoped3A = tpu.sem_alloc : memref<!tpu.dma_semaphore, #tpu.memory_space<semaphore_mem>>
      %dma_start3A = arith.constant 0 : i32
      %dma_start3A_45 = arith.constant 0 : i32
      %dma_start3A_46 = tpu.memref_slice %arg4[%add3A, %dma_start3A, %dma_start3A_45] : memref<32x81x128xi32, #tpu.memory_space<hbm>> -> memref<1x81x128xi32, #tpu.memory_space<hbm>>
      %dma_start3A_47 = tpu.memref_squeeze %dma_start3A_46 : memref<1x81x128xi32, #tpu.memory_space<hbm>> -> memref<81x128xi32, #tpu.memory_space<hbm>>
      %dma_start3A_48 = arith.constant 0 : i32
      %dma_start3A_49 = arith.constant 0 : i32
      %dma_start3A_50 = tpu.memref_slice %arg4[%add3A, %dma_start3A_48, %dma_start3A_49] : memref<32x81x128xi32, #tpu.memory_space<hbm>> -> memref<1x81x128xi32, #tpu.memory_space<hbm>>
      %dma_start3A_51 = tpu.memref_squeeze %dma_start3A_50 : memref<1x81x128xi32, #tpu.memory_space<hbm>> -> memref<81x128xi32, #tpu.memory_space<hbm>>
      tpu.enqueue_dma source(%dma_start3A_51 : memref<81x128xi32, #tpu.memory_space<hbm>>) target(%arg7 : memref<81x128xi32, #tpu.memory_space<vmem>>) target_semaphore(%run_scoped3A : memref<!tpu.dma_semaphore, #tpu.memory_space<semaphore_mem>>)
      %dma_wait3A = arith.constant 0 : i32
      %dma_wait3A_52 = arith.constant 0 : i32
      %dma_wait3A_53 = tpu.memref_slice %arg4[%add3A, %dma_wait3A, %dma_wait3A_52] : memref<32x81x128xi32, #tpu.memory_space<hbm>> -> memref<1x81x128xi32, #tpu.memory_space<hbm>>
      %dma_wait3A_54 = tpu.memref_squeeze %dma_wait3A_53 : memref<1x81x128xi32, #tpu.memory_space<hbm>> -> memref<81x128xi32, #tpu.memory_space<hbm>>
      %dma_wait3A_55 = arith.constant 0 : i32
      %dma_wait3A_56 = arith.constant 0 : i32
      %dma_wait3A_57 = tpu.memref_slice %arg4[%add3A, %dma_wait3A_55, %dma_wait3A_56] : memref<32x81x128xi32, #tpu.memory_space<hbm>> -> memref<1x81x128xi32, #tpu.memory_space<hbm>>
      %dma_wait3A_58 = tpu.memref_squeeze %dma_wait3A_57 : memref<1x81x128xi32, #tpu.memory_space<hbm>> -> memref<81x128xi32, #tpu.memory_space<hbm>>
      tpu.wait_dma2 semaphore(%run_scoped3A : memref<!tpu.dma_semaphore, #tpu.memory_space<semaphore_mem>>) src(%dma_wait3A_58 : memref<81x128xi32, #tpu.memory_space<hbm>>) dst(%arg7 : memref<81x128xi32, #tpu.memory_space<vmem>>)
      tpu.yield
    }) : () -> ()
    %barrier3A = arith.constant 0 : index
    tpu.barrier barrier_id(%barrier3A)
    %scan3A = arith.constant 0 : i32
    %scan3A_8 = arith.constant 0 : i32
    %scan3A_9 = arith.constant 81 : i32
    %scan3A_10 = arith.addi %scan3A_8, %scan3A_9 : i32
    %scan3A_11 = arith.constant 1 : i32
    %scan3A_12 = scf.for %scan3A_45 = %scan3A_8 to %scan3A_10 step %scan3A_11 iter_args(%scan3A_46 = %scan3A) -> (i32)  : i32 {
      %dma_start3A = arith.constant 0 : i32
      %dma_start3A_47 = tpu.memref_slice %arg6[%scan3A_45, %dma_start3A] : memref<81x128xi32, #tpu.memory_space<vmem>> -> memref<1x128xi32, #tpu.memory_space<vmem>>
      %dma_start3A_48 = tpu.memref_squeeze %dma_start3A_47 : memref<1x128xi32, #tpu.memory_space<vmem>> -> memref<128xi32, #tpu.memory_space<vmem>>
      %dma_start3A_49 = arith.constant 0 : i32
      %dma_start3A_50 = arith.constant 0 : i32
      %dma_start3A_51 = tpu.memref_slice %arg2[%dma_start3A_49, %dma_start3A_50] : memref<10000x128xf32, #tpu.memory_space<hbm>> -> memref<10000x128xf32, #tpu.memory_space<hbm>>
      tpu.enqueue_indirect_dma source(%dma_start3A_51 : memref<10000x128xf32, #tpu.memory_space<hbm>>) target(%arg8 : memref<128x128xf32, #tpu.memory_space<vmem>>) offsets(%dma_start3A_48 : memref<128xi32, #tpu.memory_space<vmem>>) semaphore(%arg10 : memref<!tpu.dma_semaphore, #tpu.memory_space<semaphore_mem>>)
      %dma_wait3A = arith.constant 0 : i32
      %dma_wait3A_52 = tpu.memref_slice %arg6[%scan3A_45, %dma_wait3A] : memref<81x128xi32, #tpu.memory_space<vmem>> -> memref<1x128xi32, #tpu.memory_space<vmem>>
      %dma_wait3A_53 = tpu.memref_squeeze %dma_wait3A_52 : memref<1x128xi32, #tpu.memory_space<vmem>> -> memref<128xi32, #tpu.memory_space<vmem>>
      %dma_wait3A_54 = arith.constant 0 : i32
      %dma_wait3A_55 = arith.constant 0 : i32
      %dma_wait3A_56 = tpu.memref_slice %arg2[%dma_wait3A_54, %dma_wait3A_55] : memref<10000x128xf32, #tpu.memory_space<hbm>> -> memref<10000x128xf32, #tpu.memory_space<hbm>>
      tpu.wait_indirect_dma semaphore(%arg10 : memref<!tpu.dma_semaphore, #tpu.memory_space<semaphore_mem>>) src(%dma_wait3A_56 : memref<10000x128xf32, #tpu.memory_space<hbm>>) dst(%arg8 : memref<128x128xf32, #tpu.memory_space<vmem>>)
      "tpu.region"() ({
        %run_scoped3A = tpu.sem_alloc : memref<!tpu.dma_semaphore, #tpu.memory_space<semaphore_mem>>
        %dma_start3A_58 = arith.constant 0 : i32
        %dma_start3A_59 = tpu.memref_slice %arg7[%scan3A_45, %dma_start3A_58] : memref<81x128xi32, #tpu.memory_space<vmem>> -> memref<1x128xi32, #tpu.memory_space<vmem>>
        %dma_start3A_60 = tpu.memref_squeeze %dma_start3A_59 : memref<1x128xi32, #tpu.memory_space<vmem>> -> memref<128xi32, #tpu.memory_space<vmem>>
        %dma_start3A_61 = arith.constant 0 : i32
        %dma_start3A_62 = arith.constant 0 : i32
        %dma_start3A_63 = tpu.memref_slice %arg9[%dma_start3A_61, %dma_start3A_62] : memref<10240x128xf32, #tpu.memory_space<vmem_shared>> -> memref<10240x128xf32, #tpu.memory_space<vmem_shared>>
        tpu.enqueue_indirect_dma source(%arg8 : memref<128x128xf32, #tpu.memory_space<vmem>>) target(%dma_start3A_63 : memref<10240x128xf32, #tpu.memory_space<vmem_shared>>) offsets(%dma_start3A_60 : memref<128xi32, #tpu.memory_space<vmem>>) semaphore(%run_scoped3A : memref<!tpu.dma_semaphore, #tpu.memory_space<semaphore_mem>>) {add = true}
        %dma_wait3A_64 = arith.constant 0 : i32
        %dma_wait3A_65 = tpu.memref_slice %arg7[%scan3A_45, %dma_wait3A_64] : memref<81x128xi32, #tpu.memory_space<vmem>> -> memref<1x128xi32, #tpu.memory_space<vmem>>
        %dma_wait3A_66 = tpu.memref_squeeze %dma_wait3A_65 : memref<1x128xi32, #tpu.memory_space<vmem>> -> memref<128xi32, #tpu.memory_space<vmem>>
        %dma_wait3A_67 = arith.constant 0 : i32
        %dma_wait3A_68 = arith.constant 0 : i32
        %dma_wait3A_69 = tpu.memref_slice %arg9[%dma_wait3A_67, %dma_wait3A_68] : memref<10240x128xf32, #tpu.memory_space<vmem_shared>> -> memref<10240x128xf32, #tpu.memory_space<vmem_shared>>
        tpu.wait_indirect_dma semaphore(%run_scoped3A : memref<!tpu.dma_semaphore, #tpu.memory_space<semaphore_mem>>) src(%arg8 : memref<128x128xf32, #tpu.memory_space<vmem>>) dst(%dma_wait3A_69 : memref<10240x128xf32, #tpu.memory_space<vmem_shared>>)
        tpu.yield
      }) : () -> ()
      %scan3A_57 = arith.constant 0 : i32
      scf.yield %scan3A_57 : i32
    }
    %scan3A_13 = arith.constant 81 : i32
    %barrier3A_14 = arith.constant 0 : index
    tpu.barrier barrier_id(%barrier3A_14)
    %mul3A_15 = arith.constant 5 : i32
    %mul3A_16 = arith.muli %arg1, %mul3A_15 : i32
    %add3A_17 = arith.constant 0 : i32
    %add3A_18 = arith.addi %mul3A_16, %add3A_17 : i32
    %mul3A_19 = arith.constant 128 : i32
    %mul3A_20 = arith.muli %add3A_18, %mul3A_19 : i32
    "tpu.region"() ({
      %run_scoped3A = tpu.sem_alloc : memref<!tpu.dma_semaphore, #tpu.memory_space<semaphore_mem>>
      %dma_start3A = arith.constant 0 : i32
      %dma_start3A_45 = arith.constant 0 : i32
      %dma_start3A_46 = tpu.memref_slice %arg5[%arg0, %dma_start3A, %dma_start3A_45] : memref<2x10240x128xf32, #tpu.memory_space<hbm>> -> memref<1x10240x128xf32, #tpu.memory_space<hbm>>
      %dma_start3A_47 = tpu.memref_squeeze %dma_start3A_46 : memref<1x10240x128xf32, #tpu.memory_space<hbm>> -> memref<10240x128xf32, #tpu.memory_space<hbm>>
      %dma_start3A_48 = arith.constant 0 : i32
      %dma_start3A_49 = tpu.memref_slice %dma_start3A_47[%mul3A_20, %dma_start3A_48] : memref<10240x128xf32, #tpu.memory_space<hbm>> -> memref<128x128xf32, #tpu.memory_space<hbm>>
      %dma_start3A_50 = arith.constant 0 : i32
      %dma_start3A_51 = tpu.memref_slice %arg9[%mul3A_20, %dma_start3A_50] : memref<10240x128xf32, #tpu.memory_space<vmem_shared>> -> memref<128x128xf32, #tpu.memory_space<vmem_shared>>
      tpu.enqueue_dma source(%dma_start3A_51 : memref<128x128xf32, #tpu.memory_space<vmem_shared>>) target(%dma_start3A_49 : memref<128x128xf32, #tpu.memory_space<hbm>>) target_semaphore(%run_scoped3A : memref<!tpu.dma_semaphore, #tpu.memory_space<semaphore_mem>>)
      %dma_wait3A = arith.constant 0 : i32
      %dma_wait3A_52 = arith.constant 0 : i32
      %dma_wait3A_53 = tpu.memref_slice %arg5[%arg0, %dma_wait3A, %dma_wait3A_52] : memref<2x10240x128xf32, #tpu.memory_space<hbm>> -> memref<1x10240x128xf32, #tpu.memory_space<hbm>>
      %dma_wait3A_54 = tpu.memref_squeeze %dma_wait3A_53 : memref<1x10240x128xf32, #tpu.memory_space<hbm>> -> memref<10240x128xf32, #tpu.memory_space<hbm>>
      %dma_wait3A_55 = arith.constant 0 : i32
      %dma_wait3A_56 = tpu.memref_slice %dma_wait3A_54[%mul3A_20, %dma_wait3A_55] : memref<10240x128xf32, #tpu.memory_space<hbm>> -> memref<128x128xf32, #tpu.memory_space<hbm>>
      %dma_wait3A_57 = arith.constant 0 : i32
      %dma_wait3A_58 = tpu.memref_slice %arg9[%mul3A_20, %dma_wait3A_57] : memref<10240x128xf32, #tpu.memory_space<vmem_shared>> -> memref<128x128xf32, #tpu.memory_space<vmem_shared>>
      tpu.wait_dma2 semaphore(%run_scoped3A : memref<!tpu.dma_semaphore, #tpu.memory_space<semaphore_mem>>) src(%dma_wait3A_58 : memref<128x128xf32, #tpu.memory_space<vmem_shared>>) dst(%dma_wait3A_56 : memref<128x128xf32, #tpu.memory_space<hbm>>)
      tpu.yield
    }) : () -> ()
    %mul3A_21 = arith.constant 5 : i32
    %mul3A_22 = arith.muli %arg1, %mul3A_21 : i32
    %add3A_23 = arith.constant 1 : i32
    %add3A_24 = arith.addi %mul3A_22, %add3A_23 : i32
    %mul3A_25 = arith.constant 128 : i32
    %mul3A_26 = arith.muli %add3A_24, %mul3A_25 : i32
    "tpu.region"() ({
      %run_scoped3A = tpu.sem_alloc : memref<!tpu.dma_semaphore, #tpu.memory_space<semaphore_mem>>
      %dma_start3A = arith.constant 0 : i32
      %dma_start3A_45 = arith.constant 0 : i32
      %dma_start3A_46 = tpu.memref_slice %arg5[%arg0, %dma_start3A, %dma_start3A_45] : memref<2x10240x128xf32, #tpu.memory_space<hbm>> -> memref<1x10240x128xf32, #tpu.memory_space<hbm>>
      %dma_start3A_47 = tpu.memref_squeeze %dma_start3A_46 : memref<1x10240x128xf32, #tpu.memory_space<hbm>> -> memref<10240x128xf32, #tpu.memory_space<hbm>>
      %dma_start3A_48 = arith.constant 0 : i32
      %dma_start3A_49 = tpu.memref_slice %dma_start3A_47[%mul3A_26, %dma_start3A_48] : memref<10240x128xf32, #tpu.memory_space<hbm>> -> memref<128x128xf32, #tpu.memory_space<hbm>>
      %dma_start3A_50 = arith.constant 0 : i32
      %dma_start3A_51 = tpu.memref_slice %arg9[%mul3A_26, %dma_start3A_50] : memref<10240x128xf32, #tpu.memory_space<vmem_shared>> -> memref<128x128xf32, #tpu.memory_space<vmem_shared>>
      tpu.enqueue_dma source(%dma_start3A_51 : memref<128x128xf32, #tpu.memory_space<vmem_shared>>) target(%dma_start3A_49 : memref<128x128xf32, #tpu.memory_space<hbm>>) target_semaphore(%run_scoped3A : memref<!tpu.dma_semaphore, #tpu.memory_space<semaphore_mem>>)
      %dma_wait3A = arith.constant 0 : i32
      %dma_wait3A_52 = arith.constant 0 : i32
      %dma_wait3A_53 = tpu.memref_slice %arg5[%arg0, %dma_wait3A, %dma_wait3A_52] : memref<2x10240x128xf32, #tpu.memory_space<hbm>> -> memref<1x10240x128xf32, #tpu.memory_space<hbm>>
      %dma_wait3A_54 = tpu.memref_squeeze %dma_wait3A_53 : memref<1x10240x128xf32, #tpu.memory_space<hbm>> -> memref<10240x128xf32, #tpu.memory_space<hbm>>
      %dma_wait3A_55 = arith.constant 0 : i32
      %dma_wait3A_56 = tpu.memref_slice %dma_wait3A_54[%mul3A_26, %dma_wait3A_55] : memref<10240x128xf32, #tpu.memory_space<hbm>> -> memref<128x128xf32, #tpu.memory_space<hbm>>
      %dma_wait3A_57 = arith.constant 0 : i32
      %dma_wait3A_58 = tpu.memref_slice %arg9[%mul3A_26, %dma_wait3A_57] : memref<10240x128xf32, #tpu.memory_space<vmem_shared>> -> memref<128x128xf32, #tpu.memory_space<vmem_shared>>
      tpu.wait_dma2 semaphore(%run_scoped3A : memref<!tpu.dma_semaphore, #tpu.memory_space<semaphore_mem>>) src(%dma_wait3A_58 : memref<128x128xf32, #tpu.memory_space<vmem_shared>>) dst(%dma_wait3A_56 : memref<128x128xf32, #tpu.memory_space<hbm>>)
      tpu.yield
    }) : () -> ()
    %mul3A_27 = arith.constant 5 : i32
    %mul3A_28 = arith.muli %arg1, %mul3A_27 : i32
    %add3A_29 = arith.constant 2 : i32
    %add3A_30 = arith.addi %mul3A_28, %add3A_29 : i32
    %mul3A_31 = arith.constant 128 : i32
    %mul3A_32 = arith.muli %add3A_30, %mul3A_31 : i32
    "tpu.region"() ({
      %run_scoped3A = tpu.sem_alloc : memref<!tpu.dma_semaphore, #tpu.memory_space<semaphore_mem>>
      %dma_start3A = arith.constant 0 : i32
      %dma_start3A_45 = arith.constant 0 : i32
      %dma_start3A_46 = tpu.memref_slice %arg5[%arg0, %dma_start3A, %dma_start3A_45] : memref<2x10240x128xf32, #tpu.memory_space<hbm>> -> memref<1x10240x128xf32, #tpu.memory_space<hbm>>
      %dma_start3A_47 = tpu.memref_squeeze %dma_start3A_46 : memref<1x10240x128xf32, #tpu.memory_space<hbm>> -> memref<10240x128xf32, #tpu.memory_space<hbm>>
      %dma_start3A_48 = arith.constant 0 : i32
      %dma_start3A_49 = tpu.memref_slice %dma_start3A_47[%mul3A_32, %dma_start3A_48] : memref<10240x128xf32, #tpu.memory_space<hbm>> -> memref<128x128xf32, #tpu.memory_space<hbm>>
      %dma_start3A_50 = arith.constant 0 : i32
      %dma_start3A_51 = tpu.memref_slice %arg9[%mul3A_32, %dma_start3A_50] : memref<10240x128xf32, #tpu.memory_space<vmem_shared>> -> memref<128x128xf32, #tpu.memory_space<vmem_shared>>
      tpu.enqueue_dma source(%dma_start3A_51 : memref<128x128xf32, #tpu.memory_space<vmem_shared>>) target(%dma_start3A_49 : memref<128x128xf32, #tpu.memory_space<hbm>>) target_semaphore(%run_scoped3A : memref<!tpu.dma_semaphore, #tpu.memory_space<semaphore_mem>>)
      %dma_wait3A = arith.constant 0 : i32
      %dma_wait3A_52 = arith.constant 0 : i32
      %dma_wait3A_53 = tpu.memref_slice %arg5[%arg0, %dma_wait3A, %dma_wait3A_52] : memref<2x10240x128xf32, #tpu.memory_space<hbm>> -> memref<1x10240x128xf32, #tpu.memory_space<hbm>>
      %dma_wait3A_54 = tpu.memref_squeeze %dma_wait3A_53 : memref<1x10240x128xf32, #tpu.memory_space<hbm>> -> memref<10240x128xf32, #tpu.memory_space<hbm>>
      %dma_wait3A_55 = arith.constant 0 : i32
      %dma_wait3A_56 = tpu.memref_slice %dma_wait3A_54[%mul3A_32, %dma_wait3A_55] : memref<10240x128xf32, #tpu.memory_space<hbm>> -> memref<128x128xf32, #tpu.memory_space<hbm>>
      %dma_wait3A_57 = arith.constant 0 : i32
      %dma_wait3A_58 = tpu.memref_slice %arg9[%mul3A_32, %dma_wait3A_57] : memref<10240x128xf32, #tpu.memory_space<vmem_shared>> -> memref<128x128xf32, #tpu.memory_space<vmem_shared>>
      tpu.wait_dma2 semaphore(%run_scoped3A : memref<!tpu.dma_semaphore, #tpu.memory_space<semaphore_mem>>) src(%dma_wait3A_58 : memref<128x128xf32, #tpu.memory_space<vmem_shared>>) dst(%dma_wait3A_56 : memref<128x128xf32, #tpu.memory_space<hbm>>)
      tpu.yield
    }) : () -> ()
    %mul3A_33 = arith.constant 5 : i32
    %mul3A_34 = arith.muli %arg1, %mul3A_33 : i32
    %add3A_35 = arith.constant 3 : i32
    %add3A_36 = arith.addi %mul3A_34, %add3A_35 : i32
    %mul3A_37 = arith.constant 128 : i32
    %mul3A_38 = arith.muli %add3A_36, %mul3A_37 : i32
    "tpu.region"() ({
      %run_scoped3A = tpu.sem_alloc : memref<!tpu.dma_semaphore, #tpu.memory_space<semaphore_mem>>
      %dma_start3A = arith.constant 0 : i32
      %dma_start3A_45 = arith.constant 0 : i32
      %dma_start3A_46 = tpu.memref_slice %arg5[%arg0, %dma_start3A, %dma_start3A_45] : memref<2x10240x128xf32, #tpu.memory_space<hbm>> -> memref<1x10240x128xf32, #tpu.memory_space<hbm>>
      %dma_start3A_47 = tpu.memref_squeeze %dma_start3A_46 : memref<1x10240x128xf32, #tpu.memory_space<hbm>> -> memref<10240x128xf32, #tpu.memory_space<hbm>>
      %dma_start3A_48 = arith.constant 0 : i32
      %dma_start3A_49 = tpu.memref_slice %dma_start3A_47[%mul3A_38, %dma_start3A_48] : memref<10240x128xf32, #tpu.memory_space<hbm>> -> memref<128x128xf32, #tpu.memory_space<hbm>>
      %dma_start3A_50 = arith.constant 0 : i32
      %dma_start3A_51 = tpu.memref_slice %arg9[%mul3A_38, %dma_start3A_50] : memref<10240x128xf32, #tpu.memory_space<vmem_shared>> -> memref<128x128xf32, #tpu.memory_space<vmem_shared>>
      tpu.enqueue_dma source(%dma_start3A_51 : memref<128x128xf32, #tpu.memory_space<vmem_shared>>) target(%dma_start3A_49 : memref<128x128xf32, #tpu.memory_space<hbm>>) target_semaphore(%run_scoped3A : memref<!tpu.dma_semaphore, #tpu.memory_space<semaphore_mem>>)
      %dma_wait3A = arith.constant 0 : i32
      %dma_wait3A_52 = arith.constant 0 : i32
      %dma_wait3A_53 = tpu.memref_slice %arg5[%arg0, %dma_wait3A, %dma_wait3A_52] : memref<2x10240x128xf32, #tpu.memory_space<hbm>> -> memref<1x10240x128xf32, #tpu.memory_space<hbm>>
      %dma_wait3A_54 = tpu.memref_squeeze %dma_wait3A_53 : memref<1x10240x128xf32, #tpu.memory_space<hbm>> -> memref<10240x128xf32, #tpu.memory_space<hbm>>
      %dma_wait3A_55 = arith.constant 0 : i32
      %dma_wait3A_56 = tpu.memref_slice %dma_wait3A_54[%mul3A_38, %dma_wait3A_55] : memref<10240x128xf32, #tpu.memory_space<hbm>> -> memref<128x128xf32, #tpu.memory_space<hbm>>
      %dma_wait3A_57 = arith.constant 0 : i32
      %dma_wait3A_58 = tpu.memref_slice %arg9[%mul3A_38, %dma_wait3A_57] : memref<10240x128xf32, #tpu.memory_space<vmem_shared>> -> memref<128x128xf32, #tpu.memory_space<vmem_shared>>
      tpu.wait_dma2 semaphore(%run_scoped3A : memref<!tpu.dma_semaphore, #tpu.memory_space<semaphore_mem>>) src(%dma_wait3A_58 : memref<128x128xf32, #tpu.memory_space<vmem_shared>>) dst(%dma_wait3A_56 : memref<128x128xf32, #tpu.memory_space<hbm>>)
      tpu.yield
    }) : () -> ()
    %mul3A_39 = arith.constant 5 : i32
    %mul3A_40 = arith.muli %arg1, %mul3A_39 : i32
    %add3A_41 = arith.constant 4 : i32
    %add3A_42 = arith.addi %mul3A_40, %add3A_41 : i32
    %mul3A_43 = arith.constant 128 : i32
    %mul3A_44 = arith.muli %add3A_42, %mul3A_43 : i32
    "tpu.region"() ({
      %run_scoped3A = tpu.sem_alloc : memref<!tpu.dma_semaphore, #tpu.memory_space<semaphore_mem>>
      %dma_start3A = arith.constant 0 : i32
      %dma_start3A_45 = arith.constant 0 : i32
      %dma_start3A_46 = tpu.memref_slice %arg5[%arg0, %dma_start3A, %dma_start3A_45] : memref<2x10240x128xf32, #tpu.memory_space<hbm>> -> memref<1x10240x128xf32, #tpu.memory_space<hbm>>
      %dma_start3A_47 = tpu.memref_squeeze %dma_start3A_46 : memref<1x10240x128xf32, #tpu.memory_space<hbm>> -> memref<10240x128xf32, #tpu.memory_space<hbm>>
      %dma_start3A_48 = arith.constant 0 : i32
      %dma_start3A_49 = tpu.memref_slice %dma_start3A_47[%mul3A_44, %dma_start3A_48] : memref<10240x128xf32, #tpu.memory_space<hbm>> -> memref<128x128xf32, #tpu.memory_space<hbm>>
      %dma_start3A_50 = arith.constant 0 : i32
      %dma_start3A_51 = tpu.memref_slice %arg9[%mul3A_44, %dma_start3A_50] : memref<10240x128xf32, #tpu.memory_space<vmem_shared>> -> memref<128x128xf32, #tpu.memory_space<vmem_shared>>
      tpu.enqueue_dma source(%dma_start3A_51 : memref<128x128xf32, #tpu.memory_space<vmem_shared>>) target(%dma_start3A_49 : memref<128x128xf32, #tpu.memory_space<hbm>>) target_semaphore(%run_scoped3A : memref<!tpu.dma_semaphore, #tpu.memory_space<semaphore_mem>>)
      %dma_wait3A = arith.constant 0 : i32
      %dma_wait3A_52 = arith.constant 0 : i32
      %dma_wait3A_53 = tpu.memref_slice %arg5[%arg0, %dma_wait3A, %dma_wait3A_52] : memref<2x10240x128xf32, #tpu.memory_space<hbm>> -> memref<1x10240x128xf32, #tpu.memory_space<hbm>>
      %dma_wait3A_54 = tpu.memref_squeeze %dma_wait3A_53 : memref<1x10240x128xf32, #tpu.memory_space<hbm>> -> memref<10240x128xf32, #tpu.memory_space<hbm>>
      %dma_wait3A_55 = arith.constant 0 : i32
      %dma_wait3A_56 = tpu.memref_slice %dma_wait3A_54[%mul3A_44, %dma_wait3A_55] : memref<10240x128xf32, #tpu.memory_space<hbm>> -> memref<128x128xf32, #tpu.memory_space<hbm>>
      %dma_wait3A_57 = arith.constant 0 : i32
      %dma_wait3A_58 = tpu.memref_slice %arg9[%mul3A_44, %dma_wait3A_57] : memref<10240x128xf32, #tpu.memory_space<vmem_shared>> -> memref<128x128xf32, #tpu.memory_space<vmem_shared>>
      tpu.wait_dma2 semaphore(%run_scoped3A : memref<!tpu.dma_semaphore, #tpu.memory_space<semaphore_mem>>) src(%dma_wait3A_58 : memref<128x128xf32, #tpu.memory_space<vmem_shared>>) dst(%dma_wait3A_56 : memref<128x128xf32, #tpu.memory_space<hbm>>)
      tpu.yield
    }) : () -> ()
    return
  }
}

#map = affine_map<(d0, d1) -> (0, 0)>
#map1 = affine_map<(d0, d1) -> (0, 0, 0)>
module attributes {stable_mosaic.version = 14 : i64} {
  func.func @k(%arg0: i32, %arg1: i32, %arg2: memref<10000x128xf32, #tpu.memory_space<hbm>>, %arg3: memref<32x81x128xi32, #tpu.memory_space<hbm>>, %arg4: memref<32x81x128xi32, #tpu.memory_space<hbm>>, %arg5: memref<2x10240x128xf32, #tpu.memory_space<hbm>>, %arg6: memref<81x128xi32, #tpu.memory_space<vmem>>, %arg7: memref<81x128xi32, #tpu.memory_space<vmem>>, %arg8: memref<128x128xf32, #tpu.memory_space<vmem>>, %arg9: memref<10240x128xf32, #tpu.memory_space<vmem_shared>>, %arg10: memref<!tpu.dma_semaphore, #tpu.memory_space<semaphore_mem>>) attributes {dimension_semantics = [#tpu.dimension_semantics<core_parallel>, #tpu.dimension_semantics<subcore_parallel>], iteration_bounds = array<i64: 2, 16>, scalar_prefetch = 0 : i64, scratch_operands = 5 : i64, tpu.core_type = #tpu.core_type<sc_vector_subcore>, window_params = [{transform_indices = #map}, {transform_indices = #map1}, {transform_indices = #map1}, {transform_indices = #map1}]} {
    %mul3A = arith.constant 16 : i32
    %mul3A_0 = arith.muli %arg0, %mul3A : i32
    %add3A = arith.addi %mul3A_0, %arg1 : i32
    %eq3A = arith.constant 0 : i32
    %eq3A_1 = arith.cmpi eq, %arg0, %eq3A : i32
    %convert_element_type3A = arith.extui %eq3A_1 : i1 to i32
    %cond3A = arith.constant 0 : i32
    %cond3A_2 = arith.cmpi ne, %convert_element_type3A, %cond3A : i32
    scf.if %cond3A_2 {
      %mul3A_45 = arith.constant 624 : i32
      %mul3A_46 = arith.muli %arg1, %mul3A_45 : i32
      %mul3A_47 = arith.constant 624 : i32
      %mul3A_48 = arith.muli %arg1, %mul3A_47 : i32
      "tpu.region"() ({
        %run_scoped3A = tpu.sem_alloc : memref<!tpu.dma_semaphore, #tpu.memory_space<semaphore_mem>>
        %dma_start3A = arith.constant 0 : i32
        %dma_start3A_54 = tpu.memref_slice %arg9[%mul3A_48, %dma_start3A] : memref<10240x128xf32, #tpu.memory_space<vmem_shared>> -> memref<624x128xf32, #tpu.memory_space<vmem_shared>>
        %dma_start3A_55 = arith.constant 0 : i32
        %dma_start3A_56 = tpu.memref_slice %arg2[%mul3A_46, %dma_start3A_55] : memref<10000x128xf32, #tpu.memory_space<hbm>> -> memref<624x128xf32, #tpu.memory_space<hbm>>
        tpu.enqueue_dma source(%dma_start3A_56 : memref<624x128xf32, #tpu.memory_space<hbm>>) target(%dma_start3A_54 : memref<624x128xf32, #tpu.memory_space<vmem_shared>>) target_semaphore(%run_scoped3A : memref<!tpu.dma_semaphore, #tpu.memory_space<semaphore_mem>>)
        %dma_wait3A = arith.constant 0 : i32
        %dma_wait3A_57 = tpu.memref_slice %arg9[%mul3A_48, %dma_wait3A] : memref<10240x128xf32, #tpu.memory_space<vmem_shared>> -> memref<624x128xf32, #tpu.memory_space<vmem_shared>>
        %dma_wait3A_58 = arith.constant 0 : i32
        %dma_wait3A_59 = tpu.memref_slice %arg2[%mul3A_46, %dma_wait3A_58] : memref<10000x128xf32, #tpu.memory_space<hbm>> -> memref<624x128xf32, #tpu.memory_space<hbm>>
        tpu.wait_dma2 semaphore(%run_scoped3A : memref<!tpu.dma_semaphore, #tpu.memory_space<semaphore_mem>>) src(%dma_wait3A_59 : memref<624x128xf32, #tpu.memory_space<hbm>>) dst(%dma_wait3A_57 : memref<624x128xf32, #tpu.memory_space<vmem_shared>>)
        tpu.yield
      }) : () -> ()
      %eq3A_49 = arith.constant 0 : i32
      %eq3A_50 = arith.cmpi eq, %arg1, %eq3A_49 : i32
      %convert_element_type3A_51 = arith.extui %eq3A_50 : i1 to i32
      %cond3A_52 = arith.constant 0 : i32
      %cond3A_53 = arith.cmpi ne, %convert_element_type3A_51, %cond3A_52 : i32
      scf.if %cond3A_53 {
        "tpu.region"() ({
          %run_scoped3A = tpu.sem_alloc : memref<!tpu.dma_semaphore, #tpu.memory_space<semaphore_mem>>
          %dma_start3A = arith.constant 9984 : i32
          %dma_start3A_54 = arith.constant 0 : i32
          %dma_start3A_55 = tpu.memref_slice %arg9[%dma_start3A, %dma_start3A_54] : memref<10240x128xf32, #tpu.memory_space<vmem_shared>> -> memref<16x128xf32, #tpu.memory_space<vmem_shared>>
          %dma_start3A_56 = arith.constant 9984 : i32
          %dma_start3A_57 = arith.constant 0 : i32
          %dma_start3A_58 = tpu.memref_slice %arg2[%dma_start3A_56, %dma_start3A_57] : memref<10000x128xf32, #tpu.memory_space<hbm>> -> memref<16x128xf32, #tpu.memory_space<hbm>>
          tpu.enqueue_dma source(%dma_start3A_58 : memref<16x128xf32, #tpu.memory_space<hbm>>) target(%dma_start3A_55 : memref<16x128xf32, #tpu.memory_space<vmem_shared>>) target_semaphore(%run_scoped3A : memref<!tpu.dma_semaphore, #tpu.memory_space<semaphore_mem>>)
          %dma_wait3A = arith.constant 9984 : i32
          %dma_wait3A_59 = arith.constant 0 : i32
          %dma_wait3A_60 = tpu.memref_slice %arg9[%dma_wait3A, %dma_wait3A_59] : memref<10240x128xf32, #tpu.memory_space<vmem_shared>> -> memref<16x128xf32, #tpu.memory_space<vmem_shared>>
          %dma_wait3A_61 = arith.constant 9984 : i32
          %dma_wait3A_62 = arith.constant 0 : i32
          %dma_wait3A_63 = tpu.memref_slice %arg2[%dma_wait3A_61, %dma_wait3A_62] : memref<10000x128xf32, #tpu.memory_space<hbm>> -> memref<16x128xf32, #tpu.memory_space<hbm>>
          tpu.wait_dma2 semaphore(%run_scoped3A : memref<!tpu.dma_semaphore, #tpu.memory_space<semaphore_mem>>) src(%dma_wait3A_63 : memref<16x128xf32, #tpu.memory_space<hbm>>) dst(%dma_wait3A_60 : memref<16x128xf32, #tpu.memory_space<vmem_shared>>)
          tpu.yield
        }) : () -> ()
      } else {
      }
    } else {
    }
    %eq3A_3 = arith.constant 1 : i32
    %eq3A_4 = arith.cmpi eq, %arg0, %eq3A_3 : i32
    %convert_element_type3A_5 = arith.extui %eq3A_4 : i1 to i32
    %cond3A_6 = arith.constant 0 : i32
    %cond3A_7 = arith.cmpi ne, %convert_element_type3A_5, %cond3A_6 : i32
    scf.if %cond3A_7 {
      %scan3A_45 = arith.constant 0 : i32
      %scan3A_46 = arith.constant 0 : i32
      %scan3A_47 = arith.constant 128 : i32
      %scan3A_48 = arith.addi %scan3A_46, %scan3A_47 : i32
      %scan3A_49 = arith.constant 1 : i32
      %scan3A_50 = scf.for %scan3A_82 = %scan3A_46 to %scan3A_48 step %scan3A_49 iter_args(%scan3A_83 = %scan3A_45) -> (i32)  : i32 {
        %broadcast_in_dim3A = arith.constant 0.000000e+00 : f32
        %broadcast_in_dim3A_84 = vector.broadcast %broadcast_in_dim3A : f32 to vector<16xf32>
        %swap3A = arith.index_cast %scan3A_82 : i32 to index
        %swap3A_85 = arith.constant 0 : index
        %swap3A_86 = tpu.vector_load %arg8[%swap3A, %swap3A_85] {strides = array<i32>} : memref<128x128xf32, #tpu.memory_space<vmem>>, vector<1x16xf32>,
        %swap3A_87 = vector.shape_cast %swap3A_86 : vector<1x16xf32> to vector<16xf32>
        %swap3A_88 = vector.shape_cast %broadcast_in_dim3A_84 : vector<16xf32> to vector<1x16xf32>
        tpu.vector_store %arg8[%swap3A, %swap3A_85], %swap3A_88 {strides = array<i32>} : memref<128x128xf32, #tpu.memory_space<vmem>>, vector<1x16xf32>,
        %broadcast_in_dim3A_89 = arith.constant 0.000000e+00 : f32
        %broadcast_in_dim3A_90 = vector.broadcast %broadcast_in_dim3A_89 : f32 to vector<16xf32>
        %swap3A_91 = arith.index_cast %scan3A_82 : i32 to index
        %swap3A_92 = arith.constant 16 : index
        %swap3A_93 = tpu.vector_load %arg8[%swap3A_91, %swap3A_92] {strides = array<i32>} : memref<128x128xf32, #tpu.memory_space<vmem>>, vector<1x16xf32>,
        %swap3A_94 = vector.shape_cast %swap3A_93 : vector<1x16xf32> to vector<16xf32>
        %swap3A_95 = vector.shape_cast %broadcast_in_dim3A_90 : vector<16xf32> to vector<1x16xf32>
        tpu.vector_store %arg8[%swap3A_91, %swap3A_92], %swap3A_95 {strides = array<i32>} : memref<128x128xf32, #tpu.memory_space<vmem>>, vector<1x16xf32>,
        %broadcast_in_dim3A_96 = arith.constant 0.000000e+00 : f32
        %broadcast_in_dim3A_97 = vector.broadcast %broadcast_in_dim3A_96 : f32 to vector<16xf32>
        %swap3A_98 = arith.index_cast %scan3A_82 : i32 to index
        %swap3A_99 = arith.constant 32 : index
        %swap3A_100 = tpu.vector_load %arg8[%swap3A_98, %swap3A_99] {strides = array<i32>} : memref<128x128xf32, #tpu.memory_space<vmem>>, vector<1x16xf32>,
        %swap3A_101 = vector.shape_cast %swap3A_100 : vector<1x16xf32> to vector<16xf32>
        %swap3A_102 = vector.shape_cast %broadcast_in_dim3A_97 : vector<16xf32> to vector<1x16xf32>
        tpu.vector_store %arg8[%swap3A_98, %swap3A_99], %swap3A_102 {strides = array<i32>} : memref<128x128xf32, #tpu.memory_space<vmem>>, vector<1x16xf32>,
        %broadcast_in_dim3A_103 = arith.constant 0.000000e+00 : f32
        %broadcast_in_dim3A_104 = vector.broadcast %broadcast_in_dim3A_103 : f32 to vector<16xf32>
        %swap3A_105 = arith.index_cast %scan3A_82 : i32 to index
        %swap3A_106 = arith.constant 48 : index
        %swap3A_107 = tpu.vector_load %arg8[%swap3A_105, %swap3A_106] {strides = array<i32>} : memref<128x128xf32, #tpu.memory_space<vmem>>, vector<1x16xf32>,
        %swap3A_108 = vector.shape_cast %swap3A_107 : vector<1x16xf32> to vector<16xf32>
        %swap3A_109 = vector.shape_cast %broadcast_in_dim3A_104 : vector<16xf32> to vector<1x16xf32>
        tpu.vector_store %arg8[%swap3A_105, %swap3A_106], %swap3A_109 {strides = array<i32>} : memref<128x128xf32, #tpu.memory_space<vmem>>, vector<1x16xf32>,
        %broadcast_in_dim3A_110 = arith.constant 0.000000e+00 : f32
        %broadcast_in_dim3A_111 = vector.broadcast %broadcast_in_dim3A_110 : f32 to vector<16xf32>
        %swap3A_112 = arith.index_cast %scan3A_82 : i32 to index
        %swap3A_113 = arith.constant 64 : index
        %swap3A_114 = tpu.vector_load %arg8[%swap3A_112, %swap3A_113] {strides = array<i32>} : memref<128x128xf32, #tpu.memory_space<vmem>>, vector<1x16xf32>,
        %swap3A_115 = vector.shape_cast %swap3A_114 : vector<1x16xf32> to vector<16xf32>
        %swap3A_116 = vector.shape_cast %broadcast_in_dim3A_111 : vector<16xf32> to vector<1x16xf32>
        tpu.vector_store %arg8[%swap3A_112, %swap3A_113], %swap3A_116 {strides = array<i32>} : memref<128x128xf32, #tpu.memory_space<vmem>>, vector<1x16xf32>,
        %broadcast_in_dim3A_117 = arith.constant 0.000000e+00 : f32
        %broadcast_in_dim3A_118 = vector.broadcast %broadcast_in_dim3A_117 : f32 to vector<16xf32>
        %swap3A_119 = arith.index_cast %scan3A_82 : i32 to index
        %swap3A_120 = arith.constant 80 : index
        %swap3A_121 = tpu.vector_load %arg8[%swap3A_119, %swap3A_120] {strides = array<i32>} : memref<128x128xf32, #tpu.memory_space<vmem>>, vector<1x16xf32>,
        %swap3A_122 = vector.shape_cast %swap3A_121 : vector<1x16xf32> to vector<16xf32>
        %swap3A_123 = vector.shape_cast %broadcast_in_dim3A_118 : vector<16xf32> to vector<1x16xf32>
        tpu.vector_store %arg8[%swap3A_119, %swap3A_120], %swap3A_123 {strides = array<i32>} : memref<128x128xf32, #tpu.memory_space<vmem>>, vector<1x16xf32>,
        %broadcast_in_dim3A_124 = arith.constant 0.000000e+00 : f32
        %broadcast_in_dim3A_125 = vector.broadcast %broadcast_in_dim3A_124 : f32 to vector<16xf32>
        %swap3A_126 = arith.index_cast %scan3A_82 : i32 to index
        %swap3A_127 = arith.constant 96 : index
        %swap3A_128 = tpu.vector_load %arg8[%swap3A_126, %swap3A_127] {strides = array<i32>} : memref<128x128xf32, #tpu.memory_space<vmem>>, vector<1x16xf32>,
        %swap3A_129 = vector.shape_cast %swap3A_128 : vector<1x16xf32> to vector<16xf32>
        %swap3A_130 = vector.shape_cast %broadcast_in_dim3A_125 : vector<16xf32> to vector<1x16xf32>
        tpu.vector_store %arg8[%swap3A_126, %swap3A_127], %swap3A_130 {strides = array<i32>} : memref<128x128xf32, #tpu.memory_space<vmem>>, vector<1x16xf32>,
        %broadcast_in_dim3A_131 = arith.constant 0.000000e+00 : f32
        %broadcast_in_dim3A_132 = vector.broadcast %broadcast_in_dim3A_131 : f32 to vector<16xf32>
        %swap3A_133 = arith.index_cast %scan3A_82 : i32 to index
        %swap3A_134 = arith.constant 112 : index
        %swap3A_135 = tpu.vector_load %arg8[%swap3A_133, %swap3A_134] {strides = array<i32>} : memref<128x128xf32, #tpu.memory_space<vmem>>, vector<1x16xf32>,
        %swap3A_136 = vector.shape_cast %swap3A_135 : vector<1x16xf32> to vector<16xf32>
        %swap3A_137 = vector.shape_cast %broadcast_in_dim3A_132 : vector<16xf32> to vector<1x16xf32>
        tpu.vector_store %arg8[%swap3A_133, %swap3A_134], %swap3A_137 {strides = array<i32>} : memref<128x128xf32, #tpu.memory_space<vmem>>, vector<1x16xf32>,
        %scan3A_138 = arith.constant 0 : i32
        scf.yield %scan3A_138 : i32
      }
      %scan3A_51 = arith.constant 128 : i32
      %mul3A_52 = arith.constant 5 : i32
      %mul3A_53 = arith.muli %arg1, %mul3A_52 : i32
      %add3A_54 = arith.constant 0 : i32
      %add3A_55 = arith.addi %mul3A_53, %add3A_54 : i32
      %mul3A_56 = arith.constant 128 : i32
      %mul3A_57 = arith.muli %add3A_55, %mul3A_56 : i32
      "tpu.region"() ({
        %run_scoped3A = tpu.sem_alloc : memref<!tpu.dma_semaphore, #tpu.memory_space<semaphore_mem>>
        %dma_start3A = arith.constant 0 : i32
        %dma_start3A_82 = tpu.memref_slice %arg9[%mul3A_57, %dma_start3A] : memref<10240x128xf32, #tpu.memory_space<vmem_shared>> -> memref<128x128xf32, #tpu.memory_space<vmem_shared>>
        %dma_start3A_83 = arith.constant 0 : i32
        %dma_start3A_84 = tpu.memref_slice %arg9[%mul3A_57, %dma_start3A_83] : memref<10240x128xf32, #tpu.memory_space<vmem_shared>> -> memref<128x128xf32, #tpu.memory_space<vmem_shared>>
        tpu.enqueue_dma source(%arg8 : memref<128x128xf32, #tpu.memory_space<vmem>>) target(%dma_start3A_84 : memref<128x128xf32, #tpu.memory_space<vmem_shared>>) target_semaphore(%run_scoped3A : memref<!tpu.dma_semaphore, #tpu.memory_space<semaphore_mem>>)
        %dma_wait3A = arith.constant 0 : i32
        %dma_wait3A_85 = tpu.memref_slice %arg9[%mul3A_57, %dma_wait3A] : memref<10240x128xf32, #tpu.memory_space<vmem_shared>> -> memref<128x128xf32, #tpu.memory_space<vmem_shared>>
        %dma_wait3A_86 = arith.constant 0 : i32
        %dma_wait3A_87 = tpu.memref_slice %arg9[%mul3A_57, %dma_wait3A_86] : memref<10240x128xf32, #tpu.memory_space<vmem_shared>> -> memref<128x128xf32, #tpu.memory_space<vmem_shared>>
        tpu.wait_dma2 semaphore(%run_scoped3A : memref<!tpu.dma_semaphore, #tpu.memory_space<semaphore_mem>>) src(%arg8 : memref<128x128xf32, #tpu.memory_space<vmem>>) dst(%dma_wait3A_87 : memref<128x128xf32, #tpu.memory_space<vmem_shared>>)
        tpu.yield
      }) : () -> ()
      %mul3A_58 = arith.constant 5 : i32
      %mul3A_59 = arith.muli %arg1, %mul3A_58 : i32
      %add3A_60 = arith.constant 1 : i32
      %add3A_61 = arith.addi %mul3A_59, %add3A_60 : i32
      %mul3A_62 = arith.constant 128 : i32
      %mul3A_63 = arith.muli %add3A_61, %mul3A_62 : i32
      "tpu.region"() ({
        %run_scoped3A = tpu.sem_alloc : memref<!tpu.dma_semaphore, #tpu.memory_space<semaphore_mem>>
        %dma_start3A = arith.constant 0 : i32
        %dma_start3A_82 = tpu.memref_slice %arg9[%mul3A_63, %dma_start3A] : memref<10240x128xf32, #tpu.memory_space<vmem_shared>> -> memref<128x128xf32, #tpu.memory_space<vmem_shared>>
        %dma_start3A_83 = arith.constant 0 : i32
        %dma_start3A_84 = tpu.memref_slice %arg9[%mul3A_63, %dma_start3A_83] : memref<10240x128xf32, #tpu.memory_space<vmem_shared>> -> memref<128x128xf32, #tpu.memory_space<vmem_shared>>
        tpu.enqueue_dma source(%arg8 : memref<128x128xf32, #tpu.memory_space<vmem>>) target(%dma_start3A_84 : memref<128x128xf32, #tpu.memory_space<vmem_shared>>) target_semaphore(%run_scoped3A : memref<!tpu.dma_semaphore, #tpu.memory_space<semaphore_mem>>)
        %dma_wait3A = arith.constant 0 : i32
        %dma_wait3A_85 = tpu.memref_slice %arg9[%mul3A_63, %dma_wait3A] : memref<10240x128xf32, #tpu.memory_space<vmem_shared>> -> memref<128x128xf32, #tpu.memory_space<vmem_shared>>
        %dma_wait3A_86 = arith.constant 0 : i32
        %dma_wait3A_87 = tpu.memref_slice %arg9[%mul3A_63, %dma_wait3A_86] : memref<10240x128xf32, #tpu.memory_space<vmem_shared>> -> memref<128x128xf32, #tpu.memory_space<vmem_shared>>
        tpu.wait_dma2 semaphore(%run_scoped3A : memref<!tpu.dma_semaphore, #tpu.memory_space<semaphore_mem>>) src(%arg8 : memref<128x128xf32, #tpu.memory_space<vmem>>) dst(%dma_wait3A_87 : memref<128x128xf32, #tpu.memory_space<vmem_shared>>)
        tpu.yield
      }) : () -> ()
      %mul3A_64 = arith.constant 5 : i32
      %mul3A_65 = arith.muli %arg1, %mul3A_64 : i32
      %add3A_66 = arith.constant 2 : i32
      %add3A_67 = arith.addi %mul3A_65, %add3A_66 : i32
      %mul3A_68 = arith.constant 128 : i32
      %mul3A_69 = arith.muli %add3A_67, %mul3A_68 : i32
      "tpu.region"() ({
        %run_scoped3A = tpu.sem_alloc : memref<!tpu.dma_semaphore, #tpu.memory_space<semaphore_mem>>
        %dma_start3A = arith.constant 0 : i32
        %dma_start3A_82 = tpu.memref_slice %arg9[%mul3A_69, %dma_start3A] : memref<10240x128xf32, #tpu.memory_space<vmem_shared>> -> memref<128x128xf32, #tpu.memory_space<vmem_shared>>
        %dma_start3A_83 = arith.constant 0 : i32
        %dma_start3A_84 = tpu.memref_slice %arg9[%mul3A_69, %dma_start3A_83] : memref<10240x128xf32, #tpu.memory_space<vmem_shared>> -> memref<128x128xf32, #tpu.memory_space<vmem_shared>>
        tpu.enqueue_dma source(%arg8 : memref<128x128xf32, #tpu.memory_space<vmem>>) target(%dma_start3A_84 : memref<128x128xf32, #tpu.memory_space<vmem_shared>>) target_semaphore(%run_scoped3A : memref<!tpu.dma_semaphore, #tpu.memory_space<semaphore_mem>>)
        %dma_wait3A = arith.constant 0 : i32
        %dma_wait3A_85 = tpu.memref_slice %arg9[%mul3A_69, %dma_wait3A] : memref<10240x128xf32, #tpu.memory_space<vmem_shared>> -> memref<128x128xf32, #tpu.memory_space<vmem_shared>>
        %dma_wait3A_86 = arith.constant 0 : i32
        %dma_wait3A_87 = tpu.memref_slice %arg9[%mul3A_69, %dma_wait3A_86] : memref<10240x128xf32, #tpu.memory_space<vmem_shared>> -> memref<128x128xf32, #tpu.memory_space<vmem_shared>>
        tpu.wait_dma2 semaphore(%run_scoped3A : memref<!tpu.dma_semaphore, #tpu.memory_space<semaphore_mem>>) src(%arg8 : memref<128x128xf32, #tpu.memory_space<vmem>>) dst(%dma_wait3A_87 : memref<128x128xf32, #tpu.memory_space<vmem_shared>>)
        tpu.yield
      }) : () -> ()
      %mul3A_70 = arith.constant 5 : i32
      %mul3A_71 = arith.muli %arg1, %mul3A_70 : i32
      %add3A_72 = arith.constant 3 : i32
      %add3A_73 = arith.addi %mul3A_71, %add3A_72 : i32
      %mul3A_74 = arith.constant 128 : i32
      %mul3A_75 = arith.muli %add3A_73, %mul3A_74 : i32
      "tpu.region"() ({
        %run_scoped3A = tpu.sem_alloc : memref<!tpu.dma_semaphore, #tpu.memory_space<semaphore_mem>>
        %dma_start3A = arith.constant 0 : i32
        %dma_start3A_82 = tpu.memref_slice %arg9[%mul3A_75, %dma_start3A] : memref<10240x128xf32, #tpu.memory_space<vmem_shared>> -> memref<128x128xf32, #tpu.memory_space<vmem_shared>>
        %dma_start3A_83 = arith.constant 0 : i32
        %dma_start3A_84 = tpu.memref_slice %arg9[%mul3A_75, %dma_start3A_83] : memref<10240x128xf32, #tpu.memory_space<vmem_shared>> -> memref<128x128xf32, #tpu.memory_space<vmem_shared>>
        tpu.enqueue_dma source(%arg8 : memref<128x128xf32, #tpu.memory_space<vmem>>) target(%dma_start3A_84 : memref<128x128xf32, #tpu.memory_space<vmem_shared>>) target_semaphore(%run_scoped3A : memref<!tpu.dma_semaphore, #tpu.memory_space<semaphore_mem>>)
        %dma_wait3A = arith.constant 0 : i32
        %dma_wait3A_85 = tpu.memref_slice %arg9[%mul3A_75, %dma_wait3A] : memref<10240x128xf32, #tpu.memory_space<vmem_shared>> -> memref<128x128xf32, #tpu.memory_space<vmem_shared>>
        %dma_wait3A_86 = arith.constant 0 : i32
        %dma_wait3A_87 = tpu.memref_slice %arg9[%mul3A_75, %dma_wait3A_86] : memref<10240x128xf32, #tpu.memory_space<vmem_shared>> -> memref<128x128xf32, #tpu.memory_space<vmem_shared>>
        tpu.wait_dma2 semaphore(%run_scoped3A : memref<!tpu.dma_semaphore, #tpu.memory_space<semaphore_mem>>) src(%arg8 : memref<128x128xf32, #tpu.memory_space<vmem>>) dst(%dma_wait3A_87 : memref<128x128xf32, #tpu.memory_space<vmem_shared>>)
        tpu.yield
      }) : () -> ()
      %mul3A_76 = arith.constant 5 : i32
      %mul3A_77 = arith.muli %arg1, %mul3A_76 : i32
      %add3A_78 = arith.constant 4 : i32
      %add3A_79 = arith.addi %mul3A_77, %add3A_78 : i32
      %mul3A_80 = arith.constant 128 : i32
      %mul3A_81 = arith.muli %add3A_79, %mul3A_80 : i32
      "tpu.region"() ({
        %run_scoped3A = tpu.sem_alloc : memref<!tpu.dma_semaphore, #tpu.memory_space<semaphore_mem>>
        %dma_start3A = arith.constant 0 : i32
        %dma_start3A_82 = tpu.memref_slice %arg9[%mul3A_81, %dma_start3A] : memref<10240x128xf32, #tpu.memory_space<vmem_shared>> -> memref<128x128xf32, #tpu.memory_space<vmem_shared>>
        %dma_start3A_83 = arith.constant 0 : i32
        %dma_start3A_84 = tpu.memref_slice %arg9[%mul3A_81, %dma_start3A_83] : memref<10240x128xf32, #tpu.memory_space<vmem_shared>> -> memref<128x128xf32, #tpu.memory_space<vmem_shared>>
        tpu.enqueue_dma source(%arg8 : memref<128x128xf32, #tpu.memory_space<vmem>>) target(%dma_start3A_84 : memref<128x128xf32, #tpu.memory_space<vmem_shared>>) target_semaphore(%run_scoped3A : memref<!tpu.dma_semaphore, #tpu.memory_space<semaphore_mem>>)
        %dma_wait3A = arith.constant 0 : i32
        %dma_wait3A_85 = tpu.memref_slice %arg9[%mul3A_81, %dma_wait3A] : memref<10240x128xf32, #tpu.memory_space<vmem_shared>> -> memref<128x128xf32, #tpu.memory_space<vmem_shared>>
        %dma_wait3A_86 = arith.constant 0 : i32
        %dma_wait3A_87 = tpu.memref_slice %arg9[%mul3A_81, %dma_wait3A_86] : memref<10240x128xf32, #tpu.memory_space<vmem_shared>> -> memref<128x128xf32, #tpu.memory_space<vmem_shared>>
        tpu.wait_dma2 semaphore(%run_scoped3A : memref<!tpu.dma_semaphore, #tpu.memory_space<semaphore_mem>>) src(%arg8 : memref<128x128xf32, #tpu.memory_space<vmem>>) dst(%dma_wait3A_87 : memref<128x128xf32, #tpu.memory_space<vmem_shared>>)
        tpu.yield
      }) : () -> ()
    } else {
    }
    "tpu.region"() ({
      %run_scoped3A = tpu.sem_alloc : memref<!tpu.dma_semaphore, #tpu.memory_space<semaphore_mem>>
      %dma_start3A = arith.constant 0 : i32
      %dma_start3A_45 = arith.constant 0 : i32
      %dma_start3A_46 = tpu.memref_slice %arg3[%add3A, %dma_start3A, %dma_start3A_45] : memref<32x81x128xi32, #tpu.memory_space<hbm>> -> memref<1x81x128xi32, #tpu.memory_space<hbm>>
      %dma_start3A_47 = tpu.memref_squeeze %dma_start3A_46 : memref<1x81x128xi32, #tpu.memory_space<hbm>> -> memref<81x128xi32, #tpu.memory_space<hbm>>
      %dma_start3A_48 = arith.constant 0 : i32
      %dma_start3A_49 = arith.constant 0 : i32
      %dma_start3A_50 = tpu.memref_slice %arg3[%add3A, %dma_start3A_48, %dma_start3A_49] : memref<32x81x128xi32, #tpu.memory_space<hbm>> -> memref<1x81x128xi32, #tpu.memory_space<hbm>>
      %dma_start3A_51 = tpu.memref_squeeze %dma_start3A_50 : memref<1x81x128xi32, #tpu.memory_space<hbm>> -> memref<81x128xi32, #tpu.memory_space<hbm>>
      tpu.enqueue_dma source(%dma_start3A_51 : memref<81x128xi32, #tpu.memory_space<hbm>>) target(%arg6 : memref<81x128xi32, #tpu.memory_space<vmem>>) target_semaphore(%run_scoped3A : memref<!tpu.dma_semaphore, #tpu.memory_space<semaphore_mem>>)
      %dma_wait3A = arith.constant 0 : i32
      %dma_wait3A_52 = arith.constant 0 : i32
      %dma_wait3A_53 = tpu.memref_slice %arg3[%add3A, %dma_wait3A, %dma_wait3A_52] : memref<32x81x128xi32, #tpu.memory_space<hbm>> -> memref<1x81x128xi32, #tpu.memory_space<hbm>>
      %dma_wait3A_54 = tpu.memref_squeeze %dma_wait3A_53 : memref<1x81x128xi32, #tpu.memory_space<hbm>> -> memref<81x128xi32, #tpu.memory_space<hbm>>
      %dma_wait3A_55 = arith.constant 0 : i32
      %dma_wait3A_56 = arith.constant 0 : i32
      %dma_wait3A_57 = tpu.memref_slice %arg3[%add3A, %dma_wait3A_55, %dma_wait3A_56] : memref<32x81x128xi32, #tpu.memory_space<hbm>> -> memref<1x81x128xi32, #tpu.memory_space<hbm>>
      %dma_wait3A_58 = tpu.memref_squeeze %dma_wait3A_57 : memref<1x81x128xi32, #tpu.memory_space<hbm>> -> memref<81x128xi32, #tpu.memory_space<hbm>>
      tpu.wait_dma2 semaphore(%run_scoped3A : memref<!tpu.dma_semaphore, #tpu.memory_space<semaphore_mem>>) src(%dma_wait3A_58 : memref<81x128xi32, #tpu.memory_space<hbm>>) dst(%arg6 : memref<81x128xi32, #tpu.memory_space<vmem>>)
      tpu.yield
    }) : () -> ()
    "tpu.region"() ({
      %run_scoped3A = tpu.sem_alloc : memref<!tpu.dma_semaphore, #tpu.memory_space<semaphore_mem>>
      %dma_start3A = arith.constant 0 : i32
      %dma_start3A_45 = arith.constant 0 : i32
      %dma_start3A_46 = tpu.memref_slice %arg4[%add3A, %dma_start3A, %dma_start3A_45] : memref<32x81x128xi32, #tpu.memory_space<hbm>> -> memref<1x81x128xi32, #tpu.memory_space<hbm>>
      %dma_start3A_47 = tpu.memref_squeeze %dma_start3A_46 : memref<1x81x128xi32, #tpu.memory_space<hbm>> -> memref<81x128xi32, #tpu.memory_space<hbm>>
      %dma_start3A_48 = arith.constant 0 : i32
      %dma_start3A_49 = arith.constant 0 : i32
      %dma_start3A_50 = tpu.memref_slice %arg4[%add3A, %dma_start3A_48, %dma_start3A_49] : memref<32x81x128xi32, #tpu.memory_space<hbm>> -> memref<1x81x128xi32, #tpu.memory_space<hbm>>
      %dma_start3A_51 = tpu.memref_squeeze %dma_start3A_50 : memref<1x81x128xi32, #tpu.memory_space<hbm>> -> memref<81x128xi32, #tpu.memory_space<hbm>>
      tpu.enqueue_dma source(%dma_start3A_51 : memref<81x128xi32, #tpu.memory_space<hbm>>) target(%arg7 : memref<81x128xi32, #tpu.memory_space<vmem>>) target_semaphore(%run_scoped3A : memref<!tpu.dma_semaphore, #tpu.memory_space<semaphore_mem>>)
      %dma_wait3A = arith.constant 0 : i32
      %dma_wait3A_52 = arith.constant 0 : i32
      %dma_wait3A_53 = tpu.memref_slice %arg4[%add3A, %dma_wait3A, %dma_wait3A_52] : memref<32x81x128xi32, #tpu.memory_space<hbm>> -> memref<1x81x128xi32, #tpu.memory_space<hbm>>
      %dma_wait3A_54 = tpu.memref_squeeze %dma_wait3A_53 : memref<1x81x128xi32, #tpu.memory_space<hbm>> -> memref<81x128xi32, #tpu.memory_space<hbm>>
      %dma_wait3A_55 = arith.constant 0 : i32
      %dma_wait3A_56 = arith.constant 0 : i32
      %dma_wait3A_57 = tpu.memref_slice %arg4[%add3A, %dma_wait3A_55, %dma_wait3A_56] : memref<32x81x128xi32, #tpu.memory_space<hbm>> -> memref<1x81x128xi32, #tpu.memory_space<hbm>>
      %dma_wait3A_58 = tpu.memref_squeeze %dma_wait3A_57 : memref<1x81x128xi32, #tpu.memory_space<hbm>> -> memref<81x128xi32, #tpu.memory_space<hbm>>
      tpu.wait_dma2 semaphore(%run_scoped3A : memref<!tpu.dma_semaphore, #tpu.memory_space<semaphore_mem>>) src(%dma_wait3A_58 : memref<81x128xi32, #tpu.memory_space<hbm>>) dst(%arg7 : memref<81x128xi32, #tpu.memory_space<vmem>>)
      tpu.yield
    }) : () -> ()
    %barrier3A = arith.constant 0 : index
    tpu.barrier barrier_id(%barrier3A)
    %scan3A = arith.constant 0 : i32
    %scan3A_8 = arith.constant 0 : i32
    %scan3A_9 = arith.constant 81 : i32
    %scan3A_10 = arith.addi %scan3A_8, %scan3A_9 : i32
    %scan3A_11 = arith.constant 1 : i32
    %scan3A_12 = scf.for %scan3A_45 = %scan3A_8 to %scan3A_10 step %scan3A_11 iter_args(%scan3A_46 = %scan3A) -> (i32)  : i32 {
      %dma_start3A = arith.constant 0 : i32
      %dma_start3A_47 = tpu.memref_slice %arg6[%scan3A_45, %dma_start3A] : memref<81x128xi32, #tpu.memory_space<vmem>> -> memref<1x128xi32, #tpu.memory_space<vmem>>
      %dma_start3A_48 = tpu.memref_squeeze %dma_start3A_47 : memref<1x128xi32, #tpu.memory_space<vmem>> -> memref<128xi32, #tpu.memory_space<vmem>>
      %dma_start3A_49 = arith.constant 0 : i32
      %dma_start3A_50 = arith.constant 0 : i32
      %dma_start3A_51 = tpu.memref_slice %arg2[%dma_start3A_49, %dma_start3A_50] : memref<10000x128xf32, #tpu.memory_space<hbm>> -> memref<10000x128xf32, #tpu.memory_space<hbm>>
      tpu.enqueue_indirect_dma source(%dma_start3A_51 : memref<10000x128xf32, #tpu.memory_space<hbm>>) target(%arg8 : memref<128x128xf32, #tpu.memory_space<vmem>>) offsets(%dma_start3A_48 : memref<128xi32, #tpu.memory_space<vmem>>) semaphore(%arg10 : memref<!tpu.dma_semaphore, #tpu.memory_space<semaphore_mem>>)
      %dma_wait3A = arith.constant 0 : i32
      %dma_wait3A_52 = tpu.memref_slice %arg6[%scan3A_45, %dma_wait3A] : memref<81x128xi32, #tpu.memory_space<vmem>> -> memref<1x128xi32, #tpu.memory_space<vmem>>
      %dma_wait3A_53 = tpu.memref_squeeze %dma_wait3A_52 : memref<1x128xi32, #tpu.memory_space<vmem>> -> memref<128xi32, #tpu.memory_space<vmem>>
      %dma_wait3A_54 = arith.constant 0 : i32
      %dma_wait3A_55 = arith.constant 0 : i32
      %dma_wait3A_56 = tpu.memref_slice %arg2[%dma_wait3A_54, %dma_wait3A_55] : memref<10000x128xf32, #tpu.memory_space<hbm>> -> memref<10000x128xf32, #tpu.memory_space<hbm>>
      tpu.wait_indirect_dma semaphore(%arg10 : memref<!tpu.dma_semaphore, #tpu.memory_space<semaphore_mem>>) src(%dma_wait3A_56 : memref<10000x128xf32, #tpu.memory_space<hbm>>) dst(%arg8 : memref<128x128xf32, #tpu.memory_space<vmem>>)
      "tpu.region"() ({
        %run_scoped3A = tpu.sem_alloc : memref<!tpu.dma_semaphore, #tpu.memory_space<semaphore_mem>>
        %dma_start3A_58 = arith.constant 0 : i32
        %dma_start3A_59 = tpu.memref_slice %arg7[%scan3A_45, %dma_start3A_58] : memref<81x128xi32, #tpu.memory_space<vmem>> -> memref<1x128xi32, #tpu.memory_space<vmem>>
        %dma_start3A_60 = tpu.memref_squeeze %dma_start3A_59 : memref<1x128xi32, #tpu.memory_space<vmem>> -> memref<128xi32, #tpu.memory_space<vmem>>
        %dma_start3A_61 = arith.constant 0 : i32
        %dma_start3A_62 = arith.constant 0 : i32
        %dma_start3A_63 = tpu.memref_slice %arg9[%dma_start3A_61, %dma_start3A_62] : memref<10240x128xf32, #tpu.memory_space<vmem_shared>> -> memref<10240x128xf32, #tpu.memory_space<vmem_shared>>
        tpu.enqueue_indirect_dma source(%arg8 : memref<128x128xf32, #tpu.memory_space<vmem>>) target(%dma_start3A_63 : memref<10240x128xf32, #tpu.memory_space<vmem_shared>>) offsets(%dma_start3A_60 : memref<128xi32, #tpu.memory_space<vmem>>) semaphore(%run_scoped3A : memref<!tpu.dma_semaphore, #tpu.memory_space<semaphore_mem>>) {add = true}
        %dma_wait3A_64 = arith.constant 0 : i32
        %dma_wait3A_65 = tpu.memref_slice %arg7[%scan3A_45, %dma_wait3A_64] : memref<81x128xi32, #tpu.memory_space<vmem>> -> memref<1x128xi32, #tpu.memory_space<vmem>>
        %dma_wait3A_66 = tpu.memref_squeeze %dma_wait3A_65 : memref<1x128xi32, #tpu.memory_space<vmem>> -> memref<128xi32, #tpu.memory_space<vmem>>
        %dma_wait3A_67 = arith.constant 0 : i32
        %dma_wait3A_68 = arith.constant 0 : i32
        %dma_wait3A_69 = tpu.memref_slice %arg9[%dma_wait3A_67, %dma_wait3A_68] : memref<10240x128xf32, #tpu.memory_space<vmem_shared>> -> memref<10240x128xf32, #tpu.memory_space<vmem_shared>>
        tpu.wait_indirect_dma semaphore(%run_scoped3A : memref<!tpu.dma_semaphore, #tpu.memory_space<semaphore_mem>>) src(%arg8 : memref<128x128xf32, #tpu.memory_space<vmem>>) dst(%dma_wait3A_69 : memref<10240x128xf32, #tpu.memory_space<vmem_shared>>)
        tpu.yield
      }) : () -> ()
      %scan3A_57 = arith.constant 0 : i32
      scf.yield %scan3A_57 : i32
    }
    %scan3A_13 = arith.constant 81 : i32
    %barrier3A_14 = arith.constant 0 : index
    tpu.barrier barrier_id(%barrier3A_14)
    %mul3A_15 = arith.constant 5 : i32
    %mul3A_16 = arith.muli %arg1, %mul3A_15 : i32
    %add3A_17 = arith.constant 0 : i32
    %add3A_18 = arith.addi %mul3A_16, %add3A_17 : i32
    %mul3A_19 = arith.constant 128 : i32
    %mul3A_20 = arith.muli %add3A_18, %mul3A_19 : i32
    "tpu.region"() ({
      %run_scoped3A = tpu.sem_alloc : memref<!tpu.dma_semaphore, #tpu.memory_space<semaphore_mem>>
      %dma_start3A = arith.constant 0 : i32
      %dma_start3A_45 = arith.constant 0 : i32
      %dma_start3A_46 = tpu.memref_slice %arg5[%arg0, %dma_start3A, %dma_start3A_45] : memref<2x10240x128xf32, #tpu.memory_space<hbm>> -> memref<1x10240x128xf32, #tpu.memory_space<hbm>>
      %dma_start3A_47 = tpu.memref_squeeze %dma_start3A_46 : memref<1x10240x128xf32, #tpu.memory_space<hbm>> -> memref<10240x128xf32, #tpu.memory_space<hbm>>
      %dma_start3A_48 = arith.constant 0 : i32
      %dma_start3A_49 = tpu.memref_slice %dma_start3A_47[%mul3A_20, %dma_start3A_48] : memref<10240x128xf32, #tpu.memory_space<hbm>> -> memref<128x128xf32, #tpu.memory_space<hbm>>
      %dma_start3A_50 = arith.constant 0 : i32
      %dma_start3A_51 = tpu.memref_slice %arg9[%mul3A_20, %dma_start3A_50] : memref<10240x128xf32, #tpu.memory_space<vmem_shared>> -> memref<128x128xf32, #tpu.memory_space<vmem_shared>>
      tpu.enqueue_dma source(%dma_start3A_51 : memref<128x128xf32, #tpu.memory_space<vmem_shared>>) target(%dma_start3A_49 : memref<128x128xf32, #tpu.memory_space<hbm>>) target_semaphore(%run_scoped3A : memref<!tpu.dma_semaphore, #tpu.memory_space<semaphore_mem>>)
      %dma_wait3A = arith.constant 0 : i32
      %dma_wait3A_52 = arith.constant 0 : i32
      %dma_wait3A_53 = tpu.memref_slice %arg5[%arg0, %dma_wait3A, %dma_wait3A_52] : memref<2x10240x128xf32, #tpu.memory_space<hbm>> -> memref<1x10240x128xf32, #tpu.memory_space<hbm>>
      %dma_wait3A_54 = tpu.memref_squeeze %dma_wait3A_53 : memref<1x10240x128xf32, #tpu.memory_space<hbm>> -> memref<10240x128xf32, #tpu.memory_space<hbm>>
      %dma_wait3A_55 = arith.constant 0 : i32
      %dma_wait3A_56 = tpu.memref_slice %dma_wait3A_54[%mul3A_20, %dma_wait3A_55] : memref<10240x128xf32, #tpu.memory_space<hbm>> -> memref<128x128xf32, #tpu.memory_space<hbm>>
      %dma_wait3A_57 = arith.constant 0 : i32
      %dma_wait3A_58 = tpu.memref_slice %arg9[%mul3A_20, %dma_wait3A_57] : memref<10240x128xf32, #tpu.memory_space<vmem_shared>> -> memref<128x128xf32, #tpu.memory_space<vmem_shared>>
      tpu.wait_dma2 semaphore(%run_scoped3A : memref<!tpu.dma_semaphore, #tpu.memory_space<semaphore_mem>>) src(%dma_wait3A_58 : memref<128x128xf32, #tpu.memory_space<vmem_shared>>) dst(%dma_wait3A_56 : memref<128x128xf32, #tpu.memory_space<hbm>>)
      tpu.yield
    }) : () -> ()
    %mul3A_21 = arith.constant 5 : i32
    %mul3A_22 = arith.muli %arg1, %mul3A_21 : i32
    %add3A_23 = arith.constant 1 : i32
    %add3A_24 = arith.addi %mul3A_22, %add3A_23 : i32
    %mul3A_25 = arith.constant 128 : i32
    %mul3A_26 = arith.muli %add3A_24, %mul3A_25 : i32
    "tpu.region"() ({
      %run_scoped3A = tpu.sem_alloc : memref<!tpu.dma_semaphore, #tpu.memory_space<semaphore_mem>>
      %dma_start3A = arith.constant 0 : i32
      %dma_start3A_45 = arith.constant 0 : i32
      %dma_start3A_46 = tpu.memref_slice %arg5[%arg0, %dma_start3A, %dma_start3A_45] : memref<2x10240x128xf32, #tpu.memory_space<hbm>> -> memref<1x10240x128xf32, #tpu.memory_space<hbm>>
      %dma_start3A_47 = tpu.memref_squeeze %dma_start3A_46 : memref<1x10240x128xf32, #tpu.memory_space<hbm>> -> memref<10240x128xf32, #tpu.memory_space<hbm>>
      %dma_start3A_48 = arith.constant 0 : i32
      %dma_start3A_49 = tpu.memref_slice %dma_start3A_47[%mul3A_26, %dma_start3A_48] : memref<10240x128xf32, #tpu.memory_space<hbm>> -> memref<128x128xf32, #tpu.memory_space<hbm>>
      %dma_start3A_50 = arith.constant 0 : i32
      %dma_start3A_51 = tpu.memref_slice %arg9[%mul3A_26, %dma_start3A_50] : memref<10240x128xf32, #tpu.memory_space<vmem_shared>> -> memref<128x128xf32, #tpu.memory_space<vmem_shared>>
      tpu.enqueue_dma source(%dma_start3A_51 : memref<128x128xf32, #tpu.memory_space<vmem_shared>>) target(%dma_start3A_49 : memref<128x128xf32, #tpu.memory_space<hbm>>) target_semaphore(%run_scoped3A : memref<!tpu.dma_semaphore, #tpu.memory_space<semaphore_mem>>)
      %dma_wait3A = arith.constant 0 : i32
      %dma_wait3A_52 = arith.constant 0 : i32
      %dma_wait3A_53 = tpu.memref_slice %arg5[%arg0, %dma_wait3A, %dma_wait3A_52] : memref<2x10240x128xf32, #tpu.memory_space<hbm>> -> memref<1x10240x128xf32, #tpu.memory_space<hbm>>
      %dma_wait3A_54 = tpu.memref_squeeze %dma_wait3A_53 : memref<1x10240x128xf32, #tpu.memory_space<hbm>> -> memref<10240x128xf32, #tpu.memory_space<hbm>>
      %dma_wait3A_55 = arith.constant 0 : i32
      %dma_wait3A_56 = tpu.memref_slice %dma_wait3A_54[%mul3A_26, %dma_wait3A_55] : memref<10240x128xf32, #tpu.memory_space<hbm>> -> memref<128x128xf32, #tpu.memory_space<hbm>>
      %dma_wait3A_57 = arith.constant 0 : i32
      %dma_wait3A_58 = tpu.memref_slice %arg9[%mul3A_26, %dma_wait3A_57] : memref<10240x128xf32, #tpu.memory_space<vmem_shared>> -> memref<128x128xf32, #tpu.memory_space<vmem_shared>>
      tpu.wait_dma2 semaphore(%run_scoped3A : memref<!tpu.dma_semaphore, #tpu.memory_space<semaphore_mem>>) src(%dma_wait3A_58 : memref<128x128xf32, #tpu.memory_space<vmem_shared>>) dst(%dma_wait3A_56 : memref<128x128xf32, #tpu.memory_space<hbm>>)
      tpu.yield
    }) : () -> ()
    %mul3A_27 = arith.constant 5 : i32
    %mul3A_28 = arith.muli %arg1, %mul3A_27 : i32
    %add3A_29 = arith.constant 2 : i32
    %add3A_30 = arith.addi %mul3A_28, %add3A_29 : i32
    %mul3A_31 = arith.constant 128 : i32
    %mul3A_32 = arith.muli %add3A_30, %mul3A_31 : i32
    "tpu.region"() ({
      %run_scoped3A = tpu.sem_alloc : memref<!tpu.dma_semaphore, #tpu.memory_space<semaphore_mem>>
      %dma_start3A = arith.constant 0 : i32
      %dma_start3A_45 = arith.constant 0 : i32
      %dma_start3A_46 = tpu.memref_slice %arg5[%arg0, %dma_start3A, %dma_start3A_45] : memref<2x10240x128xf32, #tpu.memory_space<hbm>> -> memref<1x10240x128xf32, #tpu.memory_space<hbm>>
      %dma_start3A_47 = tpu.memref_squeeze %dma_start3A_46 : memref<1x10240x128xf32, #tpu.memory_space<hbm>> -> memref<10240x128xf32, #tpu.memory_space<hbm>>
      %dma_start3A_48 = arith.constant 0 : i32
      %dma_start3A_49 = tpu.memref_slice %dma_start3A_47[%mul3A_32, %dma_start3A_48] : memref<10240x128xf32, #tpu.memory_space<hbm>> -> memref<128x128xf32, #tpu.memory_space<hbm>>
      %dma_start3A_50 = arith.constant 0 : i32
      %dma_start3A_51 = tpu.memref_slice %arg9[%mul3A_32, %dma_start3A_50] : memref<10240x128xf32, #tpu.memory_space<vmem_shared>> -> memref<128x128xf32, #tpu.memory_space<vmem_shared>>
      tpu.enqueue_dma source(%dma_start3A_51 : memref<128x128xf32, #tpu.memory_space<vmem_shared>>) target(%dma_start3A_49 : memref<128x128xf32, #tpu.memory_space<hbm>>) target_semaphore(%run_scoped3A : memref<!tpu.dma_semaphore, #tpu.memory_space<semaphore_mem>>)
      %dma_wait3A = arith.constant 0 : i32
      %dma_wait3A_52 = arith.constant 0 : i32
      %dma_wait3A_53 = tpu.memref_slice %arg5[%arg0, %dma_wait3A, %dma_wait3A_52] : memref<2x10240x128xf32, #tpu.memory_space<hbm>> -> memref<1x10240x128xf32, #tpu.memory_space<hbm>>
      %dma_wait3A_54 = tpu.memref_squeeze %dma_wait3A_53 : memref<1x10240x128xf32, #tpu.memory_space<hbm>> -> memref<10240x128xf32, #tpu.memory_space<hbm>>
      %dma_wait3A_55 = arith.constant 0 : i32
      %dma_wait3A_56 = tpu.memref_slice %dma_wait3A_54[%mul3A_32, %dma_wait3A_55] : memref<10240x128xf32, #tpu.memory_space<hbm>> -> memref<128x128xf32, #tpu.memory_space<hbm>>
      %dma_wait3A_57 = arith.constant 0 : i32
      %dma_wait3A_58 = tpu.memref_slice %arg9[%mul3A_32, %dma_wait3A_57] : memref<10240x128xf32, #tpu.memory_space<vmem_shared>> -> memref<128x128xf32, #tpu.memory_space<vmem_shared>>
      tpu.wait_dma2 semaphore(%run_scoped3A : memref<!tpu.dma_semaphore, #tpu.memory_space<semaphore_mem>>) src(%dma_wait3A_58 : memref<128x128xf32, #tpu.memory_space<vmem_shared>>) dst(%dma_wait3A_56 : memref<128x128xf32, #tpu.memory_space<hbm>>)
      tpu.yield
    }) : () -> ()
    %mul3A_33 = arith.constant 5 : i32
    %mul3A_34 = arith.muli %arg1, %mul3A_33 : i32
    %add3A_35 = arith.constant 3 : i32
    %add3A_36 = arith.addi %mul3A_34, %add3A_35 : i32
    %mul3A_37 = arith.constant 128 : i32
    %mul3A_38 = arith.muli %add3A_36, %mul3A_37 : i32
    "tpu.region"() ({
      %run_scoped3A = tpu.sem_alloc : memref<!tpu.dma_semaphore, #tpu.memory_space<semaphore_mem>>
      %dma_start3A = arith.constant 0 : i32
      %dma_start3A_45 = arith.constant 0 : i32
      %dma_start3A_46 = tpu.memref_slice %arg5[%arg0, %dma_start3A, %dma_start3A_45] : memref<2x10240x128xf32, #tpu.memory_space<hbm>> -> memref<1x10240x128xf32, #tpu.memory_space<hbm>>
      %dma_start3A_47 = tpu.memref_squeeze %dma_start3A_46 : memref<1x10240x128xf32, #tpu.memory_space<hbm>> -> memref<10240x128xf32, #tpu.memory_space<hbm>>
      %dma_start3A_48 = arith.constant 0 : i32
      %dma_start3A_49 = tpu.memref_slice %dma_start3A_47[%mul3A_38, %dma_start3A_48] : memref<10240x128xf32, #tpu.memory_space<hbm>> -> memref<128x128xf32, #tpu.memory_space<hbm>>
      %dma_start3A_50 = arith.constant 0 : i32
      %dma_start3A_51 = tpu.memref_slice %arg9[%mul3A_38, %dma_start3A_50] : memref<10240x128xf32, #tpu.memory_space<vmem_shared>> -> memref<128x128xf32, #tpu.memory_space<vmem_shared>>
      tpu.enqueue_dma source(%dma_start3A_51 : memref<128x128xf32, #tpu.memory_space<vmem_shared>>) target(%dma_start3A_49 : memref<128x128xf32, #tpu.memory_space<hbm>>) target_semaphore(%run_scoped3A : memref<!tpu.dma_semaphore, #tpu.memory_space<semaphore_mem>>)
      %dma_wait3A = arith.constant 0 : i32
      %dma_wait3A_52 = arith.constant 0 : i32
      %dma_wait3A_53 = tpu.memref_slice %arg5[%arg0, %dma_wait3A, %dma_wait3A_52] : memref<2x10240x128xf32, #tpu.memory_space<hbm>> -> memref<1x10240x128xf32, #tpu.memory_space<hbm>>
      %dma_wait3A_54 = tpu.memref_squeeze %dma_wait3A_53 : memref<1x10240x128xf32, #tpu.memory_space<hbm>> -> memref<10240x128xf32, #tpu.memory_space<hbm>>
      %dma_wait3A_55 = arith.constant 0 : i32
      %dma_wait3A_56 = tpu.memref_slice %dma_wait3A_54[%mul3A_38, %dma_wait3A_55] : memref<10240x128xf32, #tpu.memory_space<hbm>> -> memref<128x128xf32, #tpu.memory_space<hbm>>
      %dma_wait3A_57 = arith.constant 0 : i32
      %dma_wait3A_58 = tpu.memref_slice %arg9[%mul3A_38, %dma_wait3A_57] : memref<10240x128xf32, #tpu.memory_space<vmem_shared>> -> memref<128x128xf32, #tpu.memory_space<vmem_shared>>
      tpu.wait_dma2 semaphore(%run_scoped3A : memref<!tpu.dma_semaphore, #tpu.memory_space<semaphore_mem>>) src(%dma_wait3A_58 : memref<128x128xf32, #tpu.memory_space<vmem_shared>>) dst(%dma_wait3A_56 : memref<128x128xf32, #tpu.memory_space<hbm>>)
      tpu.yield
    }) : () -> ()
    %mul3A_39 = arith.constant 5 : i32
    %mul3A_40 = arith.muli %arg1, %mul3A_39 : i32
    %add3A_41 = arith.constant 4 : i32
    %add3A_42 = arith.addi %mul3A_40, %add3A_41 : i32
    %mul3A_43 = arith.constant 128 : i32
    %mul3A_44 = arith.muli %add3A_42, %mul3A_43 : i32
    "tpu.region"() ({
      %run_scoped3A = tpu.sem_alloc : memref<!tpu.dma_semaphore, #tpu.memory_space<semaphore_mem>>
      %dma_start3A = arith.constant 0 : i32
      %dma_start3A_45 = arith.constant 0 : i32
      %dma_start3A_46 = tpu.memref_slice %arg5[%arg0, %dma_start3A, %dma_start3A_45] : memref<2x10240x128xf32, #tpu.memory_space<hbm>> -> memref<1x10240x128xf32, #tpu.memory_space<hbm>>
      %dma_start3A_47 = tpu.memref_squeeze %dma_start3A_46 : memref<1x10240x128xf32, #tpu.memory_space<hbm>> -> memref<10240x128xf32, #tpu.memory_space<hbm>>
      %dma_start3A_48 = arith.constant 0 : i32
      %dma_start3A_49 = tpu.memref_slice %dma_start3A_47[%mul3A_44, %dma_start3A_48] : memref<10240x128xf32, #tpu.memory_space<hbm>> -> memref<128x128xf32, #tpu.memory_space<hbm>>
      %dma_start3A_50 = arith.constant 0 : i32
      %dma_start3A_51 = tpu.memref_slice %arg9[%mul3A_44, %dma_start3A_50] : memref<10240x128xf32, #tpu.memory_space<vmem_shared>> -> memref<128x128xf32, #tpu.memory_space<vmem_shared>>
      tpu.enqueue_dma source(%dma_start3A_51 : memref<128x128xf32, #tpu.memory_space<vmem_shared>>) target(%dma_start3A_49 : memref<128x128xf32, #tpu.memory_space<hbm>>) target_semaphore(%run_scoped3A : memref<!tpu.dma_semaphore, #tpu.memory_space<semaphore_mem>>)
      %dma_wait3A = arith.constant 0 : i32
      %dma_wait3A_52 = arith.constant 0 : i32
      %dma_wait3A_53 = tpu.memref_slice %arg5[%arg0, %dma_wait3A, %dma_wait3A_52] : memref<2x10240x128xf32, #tpu.memory_space<hbm>> -> memref<1x10240x128xf32, #tpu.memory_space<hbm>>
      %dma_wait3A_54 = tpu.memref_squeeze %dma_wait3A_53 : memref<1x10240x128xf32, #tpu.memory_space<hbm>> -> memref<10240x128xf32, #tpu.memory_space<hbm>>
      %dma_wait3A_55 = arith.constant 0 : i32
      %dma_wait3A_56 = tpu.memref_slice %dma_wait3A_54[%mul3A_44, %dma_wait3A_55] : memref<10240x128xf32, #tpu.memory_space<hbm>> -> memref<128x128xf32, #tpu.memory_space<hbm>>
      %dma_wait3A_57 = arith.constant 0 : i32
      %dma_wait3A_58 = tpu.memref_slice %arg9[%mul3A_44, %dma_wait3A_57] : memref<10240x128xf32, #tpu.memory_space<vmem_shared>> -> memref<128x128xf32, #tpu.memory_space<vmem_shared>>
      tpu.wait_dma2 semaphore(%run_scoped3A : memref<!tpu.dma_semaphore, #tpu.memory_space<semaphore_mem>>) src(%dma_wait3A_58 : memref<128x128xf32, #tpu.memory_space<vmem_shared>>) dst(%dma_wait3A_56 : memref<128x128xf32, #tpu.memory_space<hbm>>)
      tpu.yield
    }) : () -> ()
    return
  }
}

module attributes {stable_mosaic.version = 14 : i64} {
  func.func @body(%arg0: i32, %arg1: memref<1000x128xf32, #tpu.memory_space<vmem>>, %arg2: memref<128x128xf32, #tpu.memory_space<vmem>>, %arg3: memref<1000x1xf32, #tpu.memory_space<vmem>>, %arg4: memref<1000x128xf32, #tpu.memory_space<vmem>>) attributes {dimension_semantics = [#tpu.dimension_semantics<arbitrary>], iteration_bounds = array<i64: 10>, scalar_prefetch = 0 : i64, scratch_operands = 0 : i64, tpu.core_type = #tpu.core_type<tc>, window_params = [{transform_indices = @transform_0, window_bounds = array<i64: 1000, 128>}, {pipeline_mode = #tpu.pipeline_mode<synchronous>, transform_indices = @transform_1, window_bounds = array<i64: 128, 128>}, {transform_indices = @transform_2, window_bounds = array<i64: 1000, 1>}, {transform_indices = @transform_3, window_bounds = array<i64: 1000, 128>}]} {
    %get3A = arith.constant 0 : index
    %get3A_0 = arith.constant 0 : index
    %get3A_1 = vector.load %arg3[%get3A, %get3A_0] : memref<1000x1xf32, #tpu.memory_space<vmem>>, vector<1000x1xf32>
    %gt3A = arith.constant 0.000000e+00 : f32
    %gt3A_2 = vector.broadcast %gt3A : f32 to vector<1000x1xf32>
    %gt3A_3 = arith.cmpf ogt, %get3A_1, %gt3A_2 : vector<1000x1xf32>
    %rsqrt3A = math.rsqrt %get3A_1 : vector<1000x1xf32>
    %jit3A = arith.constant 0.000000e+00 : f32
    %broadcast_in_dim3A = vector.broadcast %jit3A : f32 to vector<1000x1xf32>
    %select_n3A = arith.select %gt3A_3, %rsqrt3A, %broadcast_in_dim3A : vector<1000x1xi1>, vector<1000x1xf32>
    %get3A_4 = arith.constant 0 : index
    %get3A_5 = arith.constant 0 : index
    %get3A_6 = vector.load %arg1[%get3A_4, %get3A_5] : memref<1000x128xf32, #tpu.memory_space<vmem>>, vector<1000x128xf32>
    %get3A_7 = arith.constant 0 : index
    %get3A_8 = arith.constant 0 : index
    %get3A_9 = vector.load %arg2[%get3A_7, %get3A_8] : memref<128x128xf32, #tpu.memory_space<vmem>>, vector<128x128xf32>
    %dot_general3A = arith.constant dense<0.000000e+00> : vector<1000x128xf32>
    %dot_general3A_10 = tpu.matmul %get3A_6, %get3A_9, %dot_general3A {dimension_numbers = #tpu.dot_dimension_numbers<[1], [0], [0], [1], [0, 0, 1, 1], [], []>, transpose_lhs_hint = false} : vector<1000x128xf32>, vector<128x128xf32>, vector<1000x128xf32> -> vector<1000x128xf32>
    %mul3A = vector.broadcast %select_n3A : vector<1000x1xf32> to vector<1000x128xf32>
    %mul3A_11 = arith.mulf %mul3A, %dot_general3A_10 : vector<1000x128xf32>
    %swap3A = arith.constant 0 : index
    %swap3A_12 = arith.constant 0 : index
    %swap3A_13 = vector.load %arg4[%swap3A, %swap3A_12] : memref<1000x128xf32, #tpu.memory_space<vmem>>, vector<1000x128xf32>
    tpu.vector_store %arg4[%swap3A, %swap3A_12], %mul3A_11 {strides = array<i32>} : memref<1000x128xf32, #tpu.memory_space<vmem>>, vector<1000x128xf32>,
    return
  }
  func.func @transform_0(%arg0: i32) -> (i32, i32) {
    %c0_i32 = arith.constant 0 : i32
    %c0_i32_0 = arith.constant 0 : i32
    return %arg0, %c0_i32 : i32, i32
  }
  func.func @transform_1(%arg0: i32) -> (i32, i32) {
    %c0_i32 = arith.constant 0 : i32
    %c0_i32_0 = arith.constant 0 : i32
    %c0_i32_1 = arith.constant 0 : i32
    return %c0_i32, %c0_i32_0 : i32, i32
  }
  func.func @transform_2(%arg0: i32) -> (i32, i32) {
    %c0_i32 = arith.constant 0 : i32
    %c0_i32_0 = arith.constant 0 : i32
    return %arg0, %c0_i32 : i32, i32
  }
  func.func @transform_3(%arg0: i32) -> (i32, i32) {
    %c0_i32 = arith.constant 0 : i32
    %c0_i32_0 = arith.constant 0 : i32
    return %arg0, %c0_i32 : i32, i32
  }
}

module attributes {stable_mosaic.version = 14 : i64} {
  func.func @body(%arg0: i32, %arg1: memref<1000x128xf32, #tpu.memory_space<vmem>>, %arg2: memref<1000x128xf32, #tpu.memory_space<vmem>>, %arg3: memref<1000x1xf32, #tpu.memory_space<vmem>>, %arg4: memref<1x128xf32, #tpu.memory_space<vmem>>, %arg5: memref<128x128xf32, #tpu.memory_space<vmem>>, %arg6: memref<1000x128xf32, #tpu.memory_space<vmem>>) attributes {dimension_semantics = [#tpu.dimension_semantics<arbitrary>], iteration_bounds = array<i64: 10>, scalar_prefetch = 0 : i64, scratch_operands = 0 : i64, tpu.core_type = #tpu.core_type<tc>, window_params = [{transform_indices = @transform_0, window_bounds = array<i64: 1000, 128>}, {transform_indices = @transform_1, window_bounds = array<i64: 1000, 128>}, {transform_indices = @transform_2, window_bounds = array<i64: 1000, 1>}, {pipeline_mode = #tpu.pipeline_mode<synchronous>, transform_indices = @transform_3, window_bounds = array<i64: 1, 128>}, {pipeline_mode = #tpu.pipeline_mode<synchronous>, transform_indices = @transform_4, window_bounds = array<i64: 128, 128>}, {transform_indices = @transform_5, window_bounds = array<i64: 1000, 128>}]} {
    %get3A = arith.constant 0 : index
    %get3A_0 = arith.constant 0 : index
    %get3A_1 = vector.load %arg3[%get3A, %get3A_0] : memref<1000x1xf32, #tpu.memory_space<vmem>>, vector<1000x1xf32>
    %gt3A = arith.constant 0.000000e+00 : f32
    %gt3A_2 = vector.broadcast %gt3A : f32 to vector<1000x1xf32>
    %gt3A_3 = arith.cmpf ogt, %get3A_1, %gt3A_2 : vector<1000x1xf32>
    %rsqrt3A = math.rsqrt %get3A_1 : vector<1000x1xf32>
    %jit3A = arith.constant 0.000000e+00 : f32
    %broadcast_in_dim3A = vector.broadcast %jit3A : f32 to vector<1000x1xf32>
    %select_n3A = arith.select %gt3A_3, %rsqrt3A, %broadcast_in_dim3A : vector<1000x1xi1>, vector<1000x1xf32>
    %get3A_4 = arith.constant 0 : index
    %get3A_5 = arith.constant 0 : index
    %get3A_6 = vector.load %arg1[%get3A_4, %get3A_5] : memref<1000x128xf32, #tpu.memory_space<vmem>>, vector<1000x128xf32>
    %get3A_7 = arith.constant 0 : index
    %get3A_8 = arith.constant 0 : index
    %get3A_9 = vector.load %arg2[%get3A_7, %get3A_8] : memref<1000x128xf32, #tpu.memory_space<vmem>>, vector<1000x128xf32>
    %add3A = arith.addf %get3A_6, %get3A_9 : vector<1000x128xf32>
    %mul3A = vector.broadcast %select_n3A : vector<1000x1xf32> to vector<1000x128xf32>
    %mul3A_10 = arith.mulf %mul3A, %add3A : vector<1000x128xf32>
    %get3A_11 = arith.constant 0 : index
    %get3A_12 = arith.constant 0 : index
    %get3A_13 = vector.load %arg4[%get3A_11, %get3A_12] : memref<1x128xf32, #tpu.memory_space<vmem>>, vector<1x128xf32>
    %add3A_14 = vector.broadcast %get3A_13 : vector<1x128xf32> to vector<1000x128xf32>
    %add3A_15 = arith.addf %mul3A_10, %add3A_14 : vector<1000x128xf32>
    %max3A = arith.constant 0.000000e+00 : f32
    %max3A_16 = vector.broadcast %max3A : f32 to vector<1000x128xf32>
    %max3A_17 = arith.maximumf %add3A_15, %max3A_16 : vector<1000x128xf32>
    %get3A_18 = arith.constant 0 : index
    %get3A_19 = arith.constant 0 : index
    %get3A_20 = vector.load %arg5[%get3A_18, %get3A_19] : memref<128x128xf32, #tpu.memory_space<vmem>>, vector<128x128xf32>
    %dot_general3A = arith.constant dense<0.000000e+00> : vector<1000x128xf32>
    %dot_general3A_21 = tpu.matmul %max3A_17, %get3A_20, %dot_general3A {dimension_numbers = #tpu.dot_dimension_numbers<[1], [0], [0], [1], [0, 0, 1, 1], [], []>, transpose_lhs_hint = false} : vector<1000x128xf32>, vector<128x128xf32>, vector<1000x128xf32> -> vector<1000x128xf32>
    %mul3A_22 = vector.broadcast %select_n3A : vector<1000x1xf32> to vector<1000x128xf32>
    %mul3A_23 = arith.mulf %mul3A_22, %dot_general3A_21 : vector<1000x128xf32>
    %swap3A = arith.constant 0 : index
    %swap3A_24 = arith.constant 0 : index
    %swap3A_25 = vector.load %arg6[%swap3A, %swap3A_24] : memref<1000x128xf32, #tpu.memory_space<vmem>>, vector<1000x128xf32>
    tpu.vector_store %arg6[%swap3A, %swap3A_24], %mul3A_23 {strides = array<i32>} : memref<1000x128xf32, #tpu.memory_space<vmem>>, vector<1000x128xf32>,
    return
  }
  func.func @transform_0(%arg0: i32) -> (i32, i32) {
    %c0_i32 = arith.constant 0 : i32
    %c0_i32_0 = arith.constant 0 : i32
    return %arg0, %c0_i32 : i32, i32
  }
  func.func @transform_1(%arg0: i32) -> (i32, i32) {
    %c0_i32 = arith.constant 0 : i32
    %c0_i32_0 = arith.constant 0 : i32
    return %arg0, %c0_i32 : i32, i32
  }
  func.func @transform_2(%arg0: i32) -> (i32, i32) {
    %c0_i32 = arith.constant 0 : i32
    %c0_i32_0 = arith.constant 0 : i32
    return %arg0, %c0_i32 : i32, i32
  }
  func.func @transform_3(%arg0: i32) -> (i32, i32) {
    %c0_i32 = arith.constant 0 : i32
    %c0_i32_0 = arith.constant 0 : i32
    %c0_i32_1 = arith.constant 0 : i32
    return %c0_i32, %c0_i32_0 : i32, i32
  }
  func.func @transform_4(%arg0: i32) -> (i32, i32) {
    %c0_i32 = arith.constant 0 : i32
    %c0_i32_0 = arith.constant 0 : i32
    %c0_i32_1 = arith.constant 0 : i32
    return %c0_i32, %c0_i32_0 : i32, i32
  }
  func.func @transform_5(%arg0: i32) -> (i32, i32) {
    %c0_i32 = arith.constant 0 : i32
    %c0_i32_0 = arith.constant 0 : i32
    return %arg0, %c0_i32 : i32, i32
  }
}

module attributes {stable_mosaic.version = 14 : i64} {
  func.func @body(%arg0: i32, %arg1: memref<1000x128xf32, #tpu.memory_space<vmem>>, %arg2: memref<1000x128xf32, #tpu.memory_space<vmem>>, %arg3: memref<1000x1xf32, #tpu.memory_space<vmem>>, %arg4: memref<1x128xf32, #tpu.memory_space<vmem>>, %arg5: memref<128x2xf32, #tpu.memory_space<vmem>>, %arg6: memref<1x2xf32, #tpu.memory_space<vmem>>, %arg7: memref<1000x2xf32, #tpu.memory_space<vmem>>) attributes {dimension_semantics = [#tpu.dimension_semantics<arbitrary>], iteration_bounds = array<i64: 10>, scalar_prefetch = 0 : i64, scratch_operands = 0 : i64, tpu.core_type = #tpu.core_type<tc>, window_params = [{transform_indices = @transform_0, window_bounds = array<i64: 1000, 128>}, {transform_indices = @transform_1, window_bounds = array<i64: 1000, 128>}, {transform_indices = @transform_2, window_bounds = array<i64: 1000, 1>}, {pipeline_mode = #tpu.pipeline_mode<synchronous>, transform_indices = @transform_3, window_bounds = array<i64: 1, 128>}, {pipeline_mode = #tpu.pipeline_mode<synchronous>, transform_indices = @transform_4, window_bounds = array<i64: 128, 2>}, {pipeline_mode = #tpu.pipeline_mode<synchronous>, transform_indices = @transform_5, window_bounds = array<i64: 1, 2>}, {transform_indices = @transform_6, window_bounds = array<i64: 1000, 2>}]} {
    %get3A = arith.constant 0 : index
    %get3A_0 = arith.constant 0 : index
    %get3A_1 = vector.load %arg3[%get3A, %get3A_0] : memref<1000x1xf32, #tpu.memory_space<vmem>>, vector<1000x1xf32>
    %gt3A = arith.constant 0.000000e+00 : f32
    %gt3A_2 = vector.broadcast %gt3A : f32 to vector<1000x1xf32>
    %gt3A_3 = arith.cmpf ogt, %get3A_1, %gt3A_2 : vector<1000x1xf32>
    %rsqrt3A = math.rsqrt %get3A_1 : vector<1000x1xf32>
    %jit3A = arith.constant 0.000000e+00 : f32
    %broadcast_in_dim3A = vector.broadcast %jit3A : f32 to vector<1000x1xf32>
    %select_n3A = arith.select %gt3A_3, %rsqrt3A, %broadcast_in_dim3A : vector<1000x1xi1>, vector<1000x1xf32>
    %get3A_4 = arith.constant 0 : index
    %get3A_5 = arith.constant 0 : index
    %get3A_6 = vector.load %arg1[%get3A_4, %get3A_5] : memref<1000x128xf32, #tpu.memory_space<vmem>>, vector<1000x128xf32>
    %get3A_7 = arith.constant 0 : index
    %get3A_8 = arith.constant 0 : index
    %get3A_9 = vector.load %arg2[%get3A_7, %get3A_8] : memref<1000x128xf32, #tpu.memory_space<vmem>>, vector<1000x128xf32>
    %add3A = arith.addf %get3A_6, %get3A_9 : vector<1000x128xf32>
    %mul3A = vector.broadcast %select_n3A : vector<1000x1xf32> to vector<1000x128xf32>
    %mul3A_10 = arith.mulf %mul3A, %add3A : vector<1000x128xf32>
    %get3A_11 = arith.constant 0 : index
    %get3A_12 = arith.constant 0 : index
    %get3A_13 = vector.load %arg4[%get3A_11, %get3A_12] : memref<1x128xf32, #tpu.memory_space<vmem>>, vector<1x128xf32>
    %add3A_14 = vector.broadcast %get3A_13 : vector<1x128xf32> to vector<1000x128xf32>
    %add3A_15 = arith.addf %mul3A_10, %add3A_14 : vector<1000x128xf32>
    %max3A = arith.constant 0.000000e+00 : f32
    %max3A_16 = vector.broadcast %max3A : f32 to vector<1000x128xf32>
    %max3A_17 = arith.maximumf %add3A_15, %max3A_16 : vector<1000x128xf32>
    %get3A_18 = arith.constant 0 : index
    %get3A_19 = arith.constant 0 : index
    %get3A_20 = vector.load %arg5[%get3A_18, %get3A_19] : memref<128x2xf32, #tpu.memory_space<vmem>>, vector<128x2xf32>
    %dot_general3A = arith.constant dense<0.000000e+00> : vector<1000x2xf32>
    %dot_general3A_21 = tpu.matmul %max3A_17, %get3A_20, %dot_general3A {dimension_numbers = #tpu.dot_dimension_numbers<[1], [0], [0], [1], [0, 0, 1, 1], [], []>, transpose_lhs_hint = false} : vector<1000x128xf32>, vector<128x2xf32>, vector<1000x2xf32> -> vector<1000x2xf32>
    %get3A_22 = arith.constant 0 : index
    %get3A_23 = arith.constant 0 : index
    %get3A_24 = vector.load %arg6[%get3A_22, %get3A_23] : memref<1x2xf32, #tpu.memory_space<vmem>>, vector<1x2xf32>
    %add3A_25 = vector.broadcast %get3A_24 : vector<1x2xf32> to vector<1000x2xf32>
    %add3A_26 = arith.addf %dot_general3A_21, %add3A_25 : vector<1000x2xf32>
    %reduce_max3A = arith.constant dense<0xFF800000> : vector<1000xf32>
    %reduce_max3A_27 = vector.multi_reduction <maximumf>, %add3A_26, %reduce_max3A [1] : vector<1000x2xf32> to vector<1000xf32>
    %broadcast_in_dim3A_28 = vector.shape_cast %reduce_max3A_27 : vector<1000xf32> to vector<1000x1xf32>
    %sub3A = vector.broadcast %broadcast_in_dim3A_28 : vector<1000x1xf32> to vector<1000x2xf32>
    %sub3A_29 = arith.subf %add3A_26, %sub3A : vector<1000x2xf32>
    %exp3A = math.exp %sub3A_29 : vector<1000x2xf32>
    %reduce_sum3A = arith.constant dense<0.000000e+00> : vector<1000xf32>
    %reduce_sum3A_30 = vector.multi_reduction <add>, %exp3A, %reduce_sum3A [1] : vector<1000x2xf32> to vector<1000xf32>
    %broadcast_in_dim3A_31 = vector.shape_cast %reduce_sum3A_30 : vector<1000xf32> to vector<1000x1xf32>
    %log3A = math.log %broadcast_in_dim3A_31 : vector<1000x1xf32>
    %add3A_32 = arith.addf %broadcast_in_dim3A_28, %log3A : vector<1000x1xf32>
    %sub3A_33 = vector.broadcast %add3A_32 : vector<1000x1xf32> to vector<1000x2xf32>
    %sub3A_34 = arith.subf %add3A_26, %sub3A_33 : vector<1000x2xf32>
    %swap3A = arith.constant 0 : index
    %swap3A_35 = arith.constant 0 : index
    %swap3A_36 = vector.load %arg7[%swap3A, %swap3A_35] : memref<1000x2xf32, #tpu.memory_space<vmem>>, vector<1000x2xf32>
    tpu.vector_store %arg7[%swap3A, %swap3A_35], %sub3A_34 {strides = array<i32>} : memref<1000x2xf32, #tpu.memory_space<vmem>>, vector<1000x2xf32>,
    return
  }
  func.func @transform_0(%arg0: i32) -> (i32, i32) {
    %c0_i32 = arith.constant 0 : i32
    %c0_i32_0 = arith.constant 0 : i32
    return %arg0, %c0_i32 : i32, i32
  }
  func.func @transform_1(%arg0: i32) -> (i32, i32) {
    %c0_i32 = arith.constant 0 : i32
    %c0_i32_0 = arith.constant 0 : i32
    return %arg0, %c0_i32 : i32, i32
  }
  func.func @transform_2(%arg0: i32) -> (i32, i32) {
    %c0_i32 = arith.constant 0 : i32
    %c0_i32_0 = arith.constant 0 : i32
    return %arg0, %c0_i32 : i32, i32
  }
  func.func @transform_3(%arg0: i32) -> (i32, i32) {
    %c0_i32 = arith.constant 0 : i32
    %c0_i32_0 = arith.constant 0 : i32
    %c0_i32_1 = arith.constant 0 : i32
    return %c0_i32, %c0_i32_0 : i32, i32
  }
  func.func @transform_4(%arg0: i32) -> (i32, i32) {
    %c0_i32 = arith.constant 0 : i32
    %c0_i32_0 = arith.constant 0 : i32
    %c0_i32_1 = arith.constant 0 : i32
    return %c0_i32, %c0_i32_0 : i32, i32
  }
  func.func @transform_5(%arg0: i32) -> (i32, i32) {
    %c0_i32 = arith.constant 0 : i32
    %c0_i32_0 = arith.constant 0 : i32
    %c0_i32_1 = arith.constant 0 : i32
    return %c0_i32, %c0_i32_0 : i32, i32
  }
  func.func @transform_6(%arg0: i32) -> (i32, i32) {
    %c0_i32 = arith.constant 0 : i32
    %c0_i32_0 = arith.constant 0 : i32
    return %arg0, %c0_i32 : i32, i32
  }
}

</mosaic_0001>

<sc_bundles>
// kernel: kernel.11.cloned.1.call-start
scs
__scs_entry_jumppad:
0x0: {  	(pc) =	sbr.rel $0x88, $3  }
0x1: {  	(tag) =	ssettag $0x0;
	lr =	simm.s32 $0x1  }
0x2: {  	[smem:$0x3F99] =	sst lr;
	_ =	strace $0xD0000000  }
0x3: {  	_ = 	snop  }
0x4: {  	_ = 	snop  }
0x5: {  	_ = 	snop  }
0x6: {  	_ = 	snop  }
0x7: {  	_ = 	snop  }
__scs_overlays_trampoline_lowered:
0x8: {  	[smem:$0x3FA8] =	sst s0  }
0x9: {  	[smem:$0x3FA9] =	sst s1  }
0xa: {  	[smem:$0x3FAA] =	sst s2  }
0xb: {  	[smem:$0x3FAB] =	sst s3  }
0xc: {  	[smem:$0x3FAC] =	sst s4  }
0xd: {  	[smem:$0x3FAD] =	sst s5  }
0xe: {  	[smem:$0x3FAE] =	sst s6  }
0xf: {  	[smem:$0x3FAF] =	sst s7  }
0x10: {  	[smem:$0x3FB0] =	sst s8  }
0x11: {  	[smem:$0x3FB1] =	sst s9;
	s0 =	simm.s32 @!p0 $0x0  }
0x12: {  	s1 =	sld [smem:$0x3F97];
	s0 =	simm.s32 @p0 $0x1  }
0x13: {  	[smem:$0x3FB2] =	sst s0;
	s0 =	simm.s32 @!p1 $0x0  }
0x14: {  	s2 =	sld [smem:$0x3F96];
	s0 =	simm.s32 @p1 $0x1  }
0x15: {  	[smem:$0x3FB3] =	sst s0;
	s0 =	simm.s32 @!p2 $0x0  }
0x16: {  	s3 =	sld [smem:$0x3FDB];
	s0 =	simm.s32 @p2 $0x1  }
0x17: {  	s4 =	simm.s32 $0x1BF5;
	[smem:$0x3FB5] =	sst s0  }
0x18: {  	s0 =	sld [smem:$0x3F98];
	_ =	swait.ge [sflag:s4], $0x0  }
0x19: {  	s7 =	sld [smem:$0x3F99]  }
0x1a: {  	s8 =	sadd.s32 $0xFFFFE003, lr  }
0x1b: {  	s9 =	sadd.s32 $0xFFFFFEF7, lr;
	s5 =	simm.s32 $0xFFFFFFFF;
	p2 =	slt.u32 s8, $0xFFFFF086  }
0x1c: {  	p1 =	slt.u32 s9, $0xF7A;
	s5 =	simm.s32 @!p2 $0x0  }
0x1d: {  	s5 =	simm.s32 @p1 $0x1;
	p0 =	seq.s32 s7, s2  }
0x1e: {  	s7 =	smul.u32 @!p0 $0xF7A, s2;
	p2 =	seq.s32 @!p0 s5, $0x0  }
0x1f: {  	s9 =	smul.u32 $0xF7A, s1;
	s8 =	simm.s32 @!p0 $0x1BF5;
	p2 =	por !p2, p0  }
0x20: {  	[sflag:s8] =	ssyncset.s32 @!p0 $0xFFFFF086;
	s6 =	sadd.s32 @!p0 s3, s7;
	s7 =	simm.s32 @!p0 $0x108  }
0x21: {  	s3 =	sadd.s32 s3, s9;
	s6 =	sadd.s32 @!p0 $0x88, s6;
	s7 =	simm.s32 @p2 $0x1082  }
0x22: {  	[simem:s7], [sflag:s8] =	dma.local @!p0 [hbm:s6], $0xF7A  }
0x23: {  	s9 =	sor.u32 $0xD0000000, s2;
	s6 =	simm.s32 $0x108;
	_ =	swait.ge @!p0 [sflag:s8], $0x0  }
0x24: {  	s3 =	sadd.s32 $0x88, s3;
	s6 =	simm.s32 @!p1 $0x1082;
	[sflag:s4] =	ssyncset.s32 $0xFFFFF086  }
0x25: {  	[simem:s6], [sflag:s4] =	dma.local [hbm:s3], $0xF7A  }
0x26: {  	[smem:$0x3F99] =	sst s1;
	(tag) =	ssettag s2;
	_ =	strace s9  }
0x27: {  	s1 =	sld [smem:$0x3FA9]  }
0x28: {  	s2 =	sld [smem:$0x3FAA]  }
0x29: {  	s4 =	sld [smem:$0x3FAC]  }
0x2a: {  	p0 =	seq.s32 s5, $0x0;
	s5 =	sld [smem:$0x3FAD]  }
0x2b: {  	s6 =	sld [smem:$0x3FAE]  }
0x2c: {  	s7 =	sld [smem:$0x3FAF]  }
0x2d: {  	s3 =	simm.s32 $0x108;
	s8 =	sld [smem:$0x3FB0]  }
0x2e: {  	s3 =	simm.s32 @!p0 $0x1082;
	s9 =	sld [smem:$0x3FB1]  }
0x2f: {  	lr =	sadd.s32 s0, s3;
	s0 =	sld [smem:$0x3FA8]  }
0x30: {  	s3 =	sld [smem:$0x3FAB]  }
0x31: {  	[smem:$0x3FB4] =	sst s10  }
0x32: {  	s10 =	sld [smem:$0x3FB2];
	_ =	sdelay $0x3  }
0x33: {  	p0 =	seq.s32 s10, $0x1;
	s10 =	sld [smem:$0x3FB4];
	_ =	sdelay $0x3  }
0x34: {  	[smem:$0x3FB4] =	sst s10  }
0x35: {  	s10 =	sld [smem:$0x3FB3];
	_ =	sdelay $0x3  }
0x36: {  	p1 =	seq.s32 s10, $0x1;
	s10 =	sld [smem:$0x3FB4];
	_ =	sdelay $0x3  }
0x37: {  	[smem:$0x3FB4] =	sst s10  }
0x38: {  	s10 =	sld [smem:$0x3FB5]  }
0x39: {  	_ = 	snop;
	(pc) =	sbr.ind lr, $3  }
0x3a: {  	_ = 	snop  }
0x3b: {  	_ = 	snop  }
0x3c: {  	p2 =	seq.s32 s10, $0x1;
	s10 =	sld [smem:$0x3FB4]  }
0x3d: {  	_ =	shalt  }
0x3e: {  	_ =	shalt  }
0x3f: {  	_ =	shalt  }
0x40: {  	_ =	shalt  }
0x41: {  	_ =	shalt  }
0x42: {  	_ =	shalt  }
0x43: {  	_ =	shalt  }
0x44: {  	_ =	shalt  }
0x45: {  	_ =	shalt  }
0x46: {  	_ =	shalt  }
0x47: {  	_ =	shalt  }
0x48: {  	_ =	shalt  }
0x49: {  	_ =	shalt  }
0x4a: {  	_ =	shalt  }
0x4b: {  	_ =	shalt  }
0x4c: {  	_ =	shalt  }
0x4d: {  	_ =	shalt  }
0x4e: {  	_ =	shalt  }
0x4f: {  	_ =	shalt  }
0x50: {  	_ =	shalt  }
0x51: {  	_ =	shalt  }
0x52: {  	_ =	shalt  }
0x53: {  	_ =	shalt  }
0x54: {  	_ =	shalt  }
0x55: {  	_ =	shalt  }
0x56: {  	_ =	shalt  }
0x57: {  	_ =	shalt  }
0x58: {  	_ =	shalt  }
0x59: {  	_ =	shalt  }
0x5a: {  	_ =	shalt  }
0x5b: {  	_ =	shalt  }
0x5c: {  	_ =	shalt  }
0x5d: {  	_ =	shalt  }
0x5e: {  	_ =	shalt  }
0x5f: {  	_ =	shalt  }
0x60: {  	_ =	shalt  }
0x61: {  	_ =	shalt  }
0x62: {  	_ =	shalt  }
0x63: {  	_ =	shalt  }
0x64: {  	_ =	shalt  }
0x65: {  	_ =	shalt  }
0x66: {  	_ =	shalt  }
0x67: {  	_ =	shalt  }
0x68: {  	_ =	shalt  }
0x69: {  	_ =	shalt  }
0x6a: {  	_ =	shalt  }
0x6b: {  	_ =	shalt  }
0x6c: {  	_ =	shalt  }
0x6d: {  	_ =	shalt  }
0x6e: {  	_ =	shalt  }
0x6f: {  	_ =	shalt  }
0x70: {  	_ =	shalt  }
0x71: {  	_ =	shalt  }
0x72: {  	_ =	shalt  }
0x73: {  	_ =	shalt  }
0x74: {  	_ =	shalt  }
0x75: {  	_ =	shalt  }
0x76: {  	_ =	shalt  }
0x77: {  	_ =	shalt  }
0x78: {  	_ =	shalt  }
0x79: {  	_ =	shalt  }
0x7a: {  	_ =	shalt  }
0x7b: {  	_ =	shalt  }
0x7c: {  	_ =	shalt  }
0x7d: {  	_ =	shalt  }
0x7e: {  	_ =	shalt  }
0x7f: {  	_ =	shalt  }
0x80: {  	_ =	shalt  }
0x81: {  	_ =	shalt  }
0x82: {  	_ =	shalt  }
0x83: {  	_ =	shalt  }
0x84: {  	_ =	shalt  }
0x85: {  	_ =	shalt  }
0x86: {  	_ =	shalt  }
0x87: {  	_ =	shalt  }
.Lfunc_end0:
.L_simem_size_0:
called_computation.1_lowered:
.L_overlay_start_0:
0x88: {  	s2 =	sld [smem:$0x3FD9]  }
0x89: {  	s3 =	sld [smem:$0x3FFE];
	_ =	sdelay $0x1  }
0x8a: {  	s1 =	srdreg.scid  }
0x8b: {  	s0 =	sand.u32 $0x1, s1  }
0x8c: {  	s16 =	sshll.u32 s0, $0xA;
	s2 =	sadd.s32 s3, s2  }
0x8d: {  	s2 =	sadd.s32 s2, s16  }
0x8e: {  	[smem:$0x3FC0] =	sst s2  }
0x8f: {  	_ = 	snop  }
0x90: {  	(tm) =	ssettm $0x1  }
0x91: {  	s17 =	sld [smem:$0x3FFB];
	_ =	sdelay $0x3  }
0x92: {  	_ =	strace s17  }
0x93: {  	s2 =	sld [smem:$0x3FFC];
	_ =	sdelay $0x3  }
0x94: {  	_ =	strace s2  }
0x95: {  	s2 =	sld [smem:$0x3FFD];
	_ =	sdelay $0x3  }
0x96: {  	_ =	strace s2  }
0x97: {  	_ =	strace $0x8FFFFFFF  }
0x98: {  	s18 =	sld [smem:$0x3FDB];
	_ =	sdelay $0x1  }
0x99: {  	s19 =	simm.s32 $_scs_section_size  }
0x9a: {  	s4 =	simm.s32 $_size__tile_overlayer_lowered;
	s5 =	simm.s32 $_tile_overlayer_lowered  }
0x9b: {  	s22 =	simm.s32 $0x1BFF;
	s21 =	sshll.u32 s5, $0x1;
	s2 =	sadd.s32 s19, s18  }
0x9c: {  	s6 =	simm.s32 $0x0;
	s20 =	sshll.u32 s4, $0x1;
	s4 =	sadd.s32 s21, s2  }
0x9d: {  	[timem:s6], [sflag:s22] =	dma.local [hbm:s4], s20  }
0x9e: {  	_ =	swait.ge [sflag:s22], s20  }
0x9f: {  	s3 =	ssub.s32 $0x0, s20;
	[sflag:s22] =	ssyncset.done $0x0  }
0xa0: {  	[sflag:s22] =	ssyncadd.s32 s3;
	_ =	sdelay $0x1  }
0xa1: {  	s23 =	simm.s32 $0x1B8B  }
0xa2: {  	_ =	swait.ge [sflag:s23], $0x1  }
0xa3: {  	[sflag:s23] =	ssyncset.done $0x0  }
0xa4: {  	s25 =	simm.s32 $0x1B8E;
	s24 =	sld [smem:$0x3FFE];
	[sflag:s23] =	ssyncadd.s32 $0xFFFFFFFF  }
0xa5: {  	s26 =	simm.s32 $execute0_lowered;
	[smem:$0x3FD2] =	sst s25  }
0xa6: {  	s4 =	sshll.u32 s26, $0x1;
	_ =	strace $0x80000049;
	[dreg:$0x1] =	wrdreg $0xFFFFFFFF  }
0xa7: {  	s28 =	simm.s32 $_size_execute0_lowered;
	s2 =	sadd.s32 s2, s4;
	[dreg:$0x0] =	wrdreg $0x0  }
0xa8: {  	s4 =	sshll.u32 s28, $0x1;
	[dreg:$0x2] =	wrdreg s2  }
0xa9: {  	[dreg:$0x3] =	wrdreg s4  }
0xaa: {  	[dreg:$0x4] =	wrdreg $0xC0  }
0xab: {  	_ =	task [dreg:s6], $0x5FFFF  }
0xac: {  	[dreg:$0x1] =	wrdreg $0xFFFFFFFF  }
0xad: {  	[dreg:$0x0] =	wrdreg $0x60  }
0xae: {  	[dreg:$0x2] =	wrdreg s24  }
0xaf: {  	[dreg:$0x3] =	wrdreg $0x98000  }
0xb0: {  	[dreg:$0x4] =	wrdreg $0x9  }
0xb1: {  	_ =	task.clear_ibuf [dreg:s6], $0x5FFFF;
	_ =	strace $0x90000049  }
0xb2: {  	s29 =	simm.s32 $0x9;
	_ =	strace $0x8000004B  }
0xb3: {  	_ =	swait.ge [sflag:s29], $0x1  }
0xb4: {  	[sflag:s29] =	ssyncadd.s32 $0xFFFFFFFF  }
0xb5: {  	_ =	strace $0x9000004B  }
0xb6: {  	_ =	sfence  }
0xb7: {  	s30 =	sld [smem:$0x0];
	_ =	sdelay $0x2  }
0xb8: {  	s31 =	sshll.u32 s1, $0xD;
	s1 =	sshrl.u32 s1, $0x2  }
0xb9: {  	s3 =	sand.u32 $0x4000, s31;
	s1 =	sadd.s32 s1, s30  }
0xba: {  	s0 =	sor.u32 s3, s0;
	s1 =	sshll.u32 s1, $0x11  }
0xbb: {  	s0 =	sor.u32 s1, s0  }
0xbc: {  	s0 =	sadd.s32 $0x8F2B, s0  }
0xbd: {  	[sflag:s0] =	ssyncadd.remote.s32 $0x1  }
0xbe: {  	_ =	sfence.sel $0xFFFF  }
0xbf: {  	[dreg:$0x0] =	wrdreg $0xFFFFFFFF;
	(pc) =	sbr.abs _section_cstart, $3  }
0xc0: {  	[dreg:$0x1] =	wrdreg $0xFFFFFFFF  }
0xc1: {  	_ =	task.clear_ibuf [dreg:s6], $0x2FFFF;
	_ =	strace $0x9FFFFFFF  }
0xc2: {  	(tm) =	ssettm $0x7FFFFFFF  }
0xc3: {  	_ =	shalt  }
tec
execute0_lowered:
.L_overlay_start_1:
0x0: {  	(tag) =	ssettag $0x1  }
0x1: {  	s0 =	srdreg.scid;
	s2 =	stileid.u32  }
0x2: {  	s3 =	rddreg [dreg:$0x0];
	s8 =	smul.u32 $0x4E000, s2  }
0x3: {  	s1 =	rddreg [dreg:$0x1];
	s5 =	simm.s32 $0x0;
	s9 =	smul.u32 $0x50000, s2  }
0x4: {  	s28 =	simm.s32 $0x2;
	s29 =	simm.s32 $0x2C00;
	s26 =	smul.u32 $0x2700, s2  }
0x5: {  	s30 =	simm.s32 $0x80;
	s31 =	simm.s32 $0x1;
	s17 =	smul.u32 $0x280, s2  }
0x6: {  	s0 =	sand.u32 $0x1, s0;
	[smem:$0x7FF] =	sst s5;
	s18 =	smul.u32 $0x2800, s2  }
0x7: {  	p1 =	sne.s32 s2, $0x0;
	s4 =	sshll.u32 s0, $0x4;
	_ =	strace $0x8000004A  }
0x8: {  	s6 =	smul.u32 $0x28000, s0;
	s7 =	ssub.s32 $0x2, s0;
	p0 =	seq.s32 s0, $0x1  }
0x9: {  	s0 =	simm.s32 $0x0;
	s4 =	sor.u32 s2, s4;
	s24 =	sshrl.u32 s7, $0x1  }
0xa: {  	s25 =	sshrl.u32 s8, $0x2;
	s15 =	sshrl.u32 s9, $0x2;
	s20 =	sadd.s32 $0x80, s17  }
0xb: {  	s21 =	sadd.s32 $0x100, s17;
	s22 =	sadd.s32 $0x180, s17;
	s23 =	smul.u32 $0x580, s4  }
0xc: {  	s4 =	sadd.s32 $0x18C00, s3;
	s12 =	sadd.s32 s6, s3;
	s19 =	ssub.s32 s7, s24  }
0xd: {  	s8 =	sadd.s32 s25, s1;
	s25 =	sadd.s32 $0x138000, s1;
	s6 =	sadd.s32 s15, s1  }
0xe: {  	s13 =	sshll.u32 s20, $0x4;
	s14 =	sshll.u32 s21, $0x4;
	s15 =	sshll.u32 s22, $0x4  }
0xf: {  	s20 =	sshll.u32 s20, $0x7;
	s24 =	sshll.u32 s22, $0x7;
	s7 =	sadd.s32 s4, s26  }
0x10: {  	s16 =	sadd.s32 $0x4000, s6;
	s9 =	sadd.s32 $0x8000, s6;
	s10 =	sadd.s32 $0xC000, s6  }
0x11: {  	s11 =	sadd.s32 $0x10000, s6;
	s19 =	smax.u32 s19, $0x1;
	s25 =	sshrl.u32 @!p1 s25, $0x3  }
0x12: {  	s5 =	sadd.s32 s23, s3;
	[dreg:$0x3] =	wrdreg s7;
	s3 =	sadd.s32 $0x3FC00, s3  }
0x13: {  	[dreg:$0x5] =	wrdreg s16;
	s16 =	sadd.s32 $0x3FE00, s12;
	s23 =	sshll.u32 s21, $0x7  }
0x14: {  	[dreg:$0x4] =	wrdreg s3;
	s3 =	sadd.s32 $0x200, s17;
	s12 =	sadd.s32 s18, s16  }
0x15: {  	s13 =	sadd.s32 s13, s16;
	s14 =	sadd.s32 s14, s16;
	s15 =	sadd.s32 s15, s16  }
0x16: {  	s18 =	sadd.s32 $0x2200, s5;
	s26 =	sadd.s32 s23, s1;
	s23 =	sadd.s32 s24, s1  }
0x17: {  	s24 =	sshrl.u32 s8, $0x3;
	s17 =	sshll.u32 s3, $0x4;
	s3 =	sshll.u32 s3, $0x7  }
0x18: {  	s21 =	sshrl.u32 s26, $0x3;
	s22 =	sshrl.u32 s23, $0x3;
	s16 =	sadd.s32 s17, s16  }
0x19: {  	s17 =	sadd.s32 $0xDC00, s5;
	s5 =	sadd.s32 s20, s1;
	s3 =	sadd.s32 s3, s1  }
0x1a: {  	v0 =	vimm.f32 $0.0e+00;
	s26 =	simm.s32 $0x5800;
	s20 =	sshrl.u32 s5, $0x3;
	s23 =	sshrl.u32 s3, $0x3  }
.LBB2_1:
.Ltmp0:
0x1b: {  	(pc) =	sbr.rel @!p0 .LBB2_2-.Ltmp0, $1  }
0x1c: {  	_ =	sdelay $0x3  }
0x1d: {  	s5 =	simm.s32 $0x0  }
0x1e: {  	s3 =	sshra.s32 s5, $0x2;
	s5 =	sadd.s32 $0x200, s5  }
.LBB2_4:
0x1f: {  	p2 =	sne.s32 s5, $0xFE00;
	[tilespmem:s3+$0x5870] =	vst v0  }
0x20: {  	[tilespmem:s3+$0x5800] =	vst v0  }
0x21: {  	[tilespmem:s3+$0x5810] =	vst v0  }
.Ltmp1:
0x22: {  	[tilespmem:s3+$0x5820] =	vst v0;
	(pc) =	sbr.rel @p2 .LBB2_4-.Ltmp1, $4  }
0x23: {  	[tilespmem:s3+$0x5830] =	vst v0  }
0x24: {  	[tilespmem:s3+$0x5840] =	vst v0  }
0x25: {  	[tilespmem:s3+$0x5850] =	vst v0  }
0x26: {  	[tilespmem:s3+$0x5860] =	vst v0;
	s3 =	sshra.s32 s5, $0x2;
	s5 =	sadd.s32 $0x200, s5  }
0x27: {  	[tilespmem:s3+$0x5870] =	vst v0  }
0x28: {  	[tilespmem:s3+$0x5800] =	vst v0  }
0x29: {  	[tilespmem:s3+$0x5810] =	vst v0  }
0x2a: {  	[tilespmem:s3+$0x5820] =	vst v0  }
0x2b: {  	[tilespmem:s3+$0x5830] =	vst v0  }
0x2c: {  	[tilespmem:s3+$0x5840] =	vst v0  }
0x2d: {  	[tilespmem:s3+$0x5850] =	vst v0  }
0x2e: {  	[tilespmem:s3+$0x5860] =	vst v0  }
0x2f: {  	[spmem:s6] =	stream.linear.scatter [tilespmem:s26], [sflag:$0x2], $0x4000, $0x38;
	[tilespmem:$0x1D800] =	vst v63  }
0x30: {  	_ =	swait.ge [sflag:s28], $0x4000  }
0x31: {  	[sflag:s28] =	ssyncset.done $0x0  }
0x32: {  	s8 =	rddreg [dreg:$0x5];
	[sflag:s28] =	ssyncadd.s32 $0xFFFFC000  }
0x33: {  	[spmem:s8] =	stream.linear.scatter [tilespmem:s26], [sflag:$0x2], $0x4000, $0x38;
	[tilespmem:$0x1D800] =	vst v63  }
0x34: {  	_ =	swait.ge [sflag:s28], $0x4000  }
0x35: {  	[sflag:s28] =	ssyncset.done $0x0  }
0x36: {  	[sflag:s28] =	ssyncadd.s32 $0xFFFFC000  }
0x37: {  	[spmem:s9] =	stream.linear.scatter [tilespmem:s26], [sflag:$0x2], $0x4000, $0x38;
	[tilespmem:$0x1D800] =	vst v63  }
0x38: {  	_ =	swait.ge [sflag:s28], $0x4000  }
0x39: {  	[sflag:s28] =	ssyncset.done $0x0  }
0x3a: {  	[sflag:s28] =	ssyncadd.s32 $0xFFFFC000  }
0x3b: {  	[spmem:s10] =	stream.linear.scatter [tilespmem:s26], [sflag:$0x2], $0x4000, $0x38;
	[tilespmem:$0x1D800] =	vst v63  }
0x3c: {  	_ =	swait.ge [sflag:s28], $0x4000  }
0x3d: {  	[sflag:s28] =	ssyncset.done $0x0  }
.Ltmp2:
0x3e: {  	[sflag:s28] =	ssyncadd.s32 $0xFFFFC000;
	(pc) =	sbr.rel .LBB2_6-.Ltmp2, $4  }
0x3f: {  	[spmem:s11] =	stream.linear.scatter [tilespmem:s26], [sflag:$0x2], $0x4000, $0x38;
	[tilespmem:$0x1D800] =	vst v63  }
0x40: {  	_ =	swait.ge [sflag:s28], $0x4000  }
0x41: {  	[sflag:s28] =	ssyncset.done $0x0  }
0x42: {  	[sflag:s28] =	ssyncadd.s32 $0xFFFFC000  }
.LBB2_2:
0x43: {  	s3 =	sshll.u32 s2, $0x6  }
0x44: {  	s5 =	rddreg [dreg:$0x3];
	s3 =	sor.u32 $0x1C02, s3  }
0x45: {  	[spmem:s24], [sflag:s3] =	dma.local [hbm:s5], $0x2700  }
0x46: {  	_ =	swait.ge [sflag:s28], $0x2700  }
0x47: {  	[sflag:s28] =	ssyncset.done $0x0  }
0x48: {  	s5 =	rddreg [dreg:$0x4];
	[sflag:s28] =	ssyncadd.s32 $0xFFFFD900  }
0x49: {  	[spmem:s25], [sflag:s3] =	dma.local @!p1 [hbm:s5], $0x100  }
0x4a: {  	s3 =	simm.s32 @!p1 $0x2  }
0x4b: {  	_ =	swait.ge @!p1 [sflag:s3], $0x100  }
0x4c: {  	[sflag:s3] =	ssyncset.done @!p1 $0x0  }
0x4d: {  	[sflag:s3] =	ssyncadd.s32 @!p1 $0xFFFFFF00  }
.LBB2_6:
0x4e: {  	s3 =	simm.s32 $0x0  }
0x4f: {  	[tilespmem:s3], [sflag:$0x2] =	stream.linear.gather [hbm4b:s17+s3], $0x2880, $0x38;
	[tilespmem:$0x1D800] =	vst v63  }
0x50: {  	_ =	swait.ge [sflag:s28], $0x2880  }
0x51: {  	[sflag:s28] =	ssyncset.done $0x0  }
0x52: {  	[sflag:s28] =	ssyncadd.s32 $0xFFFFD780  }
0x53: {  	[tilespmem:s29], [sflag:$0x2] =	stream.linear.gather [hbm4b:s18+s3], $0x2880, $0x38;
	[tilespmem:$0x1D800] =	vst v63  }
0x54: {  	_ =	swait.ge [sflag:s28], $0x2880  }
0x55: {  	[sflag:s28] =	ssyncset.done $0x0  }
0x56: {  	[sflag:s28] =	ssyncadd.s32 $0xFFFFD780  }
0x57: {  	s7 =	simm.s32 $0x0;
	[bflag:$0x0] =	sbarrier.arrive $0xFFFF  }
0x58: {  	[tilespmem:s26], [sflag:$0x1] =	stream.indirect.gather [hbm4b:s4+s30], $0x80, s7, s30, $0xb8;
	[tilespmem:$0x1D800] =	vst v63  }
0x59: {  	_ =	swait.ge [sflag:s31], $0x4000  }
0x5a: {  	[sflag:s31] =	ssyncset.done $0x0  }
0x5b: {  	s8 =	simm.s32 $0x2C00;
	[sflag:s31] =	ssyncadd.s32 $0xFFFFC000  }
0x5c: {  	[spmem:s1] =	stream.indirect.scatter.add.f32 [tilespmem:s26], [sflag:$0x2], $0x80, s8, s30, $0xb8;
	[tilespmem:$0x1D800] =	vst v63  }
0x5d: {  	_ =	swait.ge [sflag:s28], $0x4000  }
0x5e: {  	s5 =	simm.s32 $0x400;
	s3 =	simm.s32 $0x200;
	[sflag:s28] =	ssyncset.done $0x0  }
.LBB2_7:
0x5f: {  	s7 =	sshra.s32 s3, $0x2  }
0x60: {  	[sflag:s28] =	ssyncadd.s32 $0xFFFFC000;
	s3 =	smov.u32 s5;
	s8 =	sadd.s32 $0x200, s5  }
0x61: {  	[tilespmem:s26], [sflag:$0x1] =	stream.indirect.gather [hbm4b:s4+s30], $0x80, s7, s30, $0xb8;
	[tilespmem:$0x1D800] =	vst v63  }
0x62: {  	p2 =	sne.s32 s5, $0xA000;
	_ =	swait.ge [sflag:s31], $0x4000  }
.Ltmp3:
0x63: {  	[sflag:s31] =	ssyncset.done $0x0;
	(pc) =	sbr.rel @p2 .LBB2_7-.Ltmp3, $4  }
0x64: {  	s5 =	sadd.s32 $0x2C00, s7;
	[sflag:s31] =	ssyncadd.s32 $0xFFFFC000  }
0x65: {  	[spmem:s1] =	stream.indirect.scatter.add.f32 [tilespmem:s26], [sflag:$0x2], $0x80, s5, s30, $0xb8;
	[tilespmem:$0x1D800] =	vst v63  }
0x66: {  	_ =	swait.ge [sflag:s28], $0x4000  }
0x67: {  	s5 =	smov.u32 s8;
	[sflag:s28] =	ssyncset.done $0x0  }
0x68: {  	s3 =	sshra.s32 s3, $0x2;
	[sflag:s28] =	ssyncadd.s32 $0xFFFFC000  }
0x69: {  	[tilespmem:s26], [sflag:$0x1] =	stream.indirect.gather [hbm4b:s4+s30], $0x80, s3, s30, $0xb8;
	[tilespmem:$0x1D800] =	vst v63  }
0x6a: {  	_ =	swait.ge [sflag:s31], $0x4000  }
0x6b: {  	[sflag:s31] =	ssyncset.done $0x0  }
0x6c: {  	s3 =	sadd.s32 $0x2C00, s3;
	[sflag:s31] =	ssyncadd.s32 $0xFFFFC000  }
0x6d: {  	[spmem:s1] =	stream.indirect.scatter.add.f32 [tilespmem:s26], [sflag:$0x2], $0x80, s3, s30, $0xb8;
	[tilespmem:$0x1D800] =	vst v63  }
0x6e: {  	_ =	swait.ge [sflag:s28], $0x4000  }
0x6f: {  	[sflag:s28] =	ssyncset.done $0x0  }
0x70: {  	s8 =	sshll.u32 s2, $0x6;
	[sflag:s28] =	ssyncadd.s32 $0xFFFFC000  }
0x71: {  	s5 =	sshrl.u32 s6, $0x3;
	s3 =	sor.u32 $0x1C02, s8;
	[bflag:$0x0] =	sbarrier.arrive $0xFFFF  }
0x72: {  	[hbm:s12], [sflag:s3] =	dma.local [spmem:s5], $0x800  }
0x73: {  	_ =	swait.ge [sflag:s28], $0x800  }
0x74: {  	[sflag:s28] =	ssyncset.done $0x0  }
0x75: {  	[sflag:s28] =	ssyncadd.s32 $0xFFFFF800  }
0x76: {  	[hbm:s13], [sflag:s3] =	dma.local [spmem:s20], $0x800  }
0x77: {  	_ =	swait.ge [sflag:s28], $0x800  }
0x78: {  	[sflag:s28] =	ssyncset.done $0x0  }
0x79: {  	[sflag:s28] =	ssyncadd.s32 $0xFFFFF800  }
0x7a: {  	[hbm:s14], [sflag:s3] =	dma.local [spmem:s21], $0x800  }
0x7b: {  	_ =	swait.ge [sflag:s28], $0x800  }
0x7c: {  	[sflag:s28] =	ssyncset.done $0x0  }
0x7d: {  	[sflag:s28] =	ssyncadd.s32 $0xFFFFF800  }
0x7e: {  	[hbm:s15], [sflag:s3] =	dma.local [spmem:s22], $0x800  }
0x7f: {  	s0 =	sadd.s32 $0x1, s0;
	_ =	swait.ge [sflag:s28], $0x800  }
0x80: {  	p2 =	sne.s32 s0, s19;
	[sflag:s28] =	ssyncset.done $0x0  }
.Ltmp4:
0x81: {  	[sflag:s28] =	ssyncadd.s32 $0xFFFFF800;
	(pc) =	sbr.rel @p2 .LBB2_1-.Ltmp4, $4  }
0x82: {  	[hbm:s16], [sflag:s3] =	dma.local [spmem:s23], $0x800  }
0x83: {  	_ =	swait.ge [sflag:s28], $0x800  }
0x84: {  	[sflag:s28] =	ssyncset.done $0x0  }
0x85: {  	[sflag:s28] =	ssyncadd.s32 $0xFFFFF800  }
0x86: {  	_ =	sfence.sel $0x180000  }
0x87: {  	[bflag:$0x0] =	sbarrier.arrive $0xFFFF  }
0x88: {  	_ =	strace $0x9000004A  }
0x89: {  	[bflag:$0x2] =	sbarrier.arrive $0xFFFF  }
0x8a: {  	s0 =	rddreg [dreg:$0x2]  }
0x8b: {  	s0 =	sadd.s32 @!p1 $0x100000, s0  }
0x8c: {  	[sflag:s0] =	ssyncadd.tile.s32 @!p1 $0x1;
	_ =	shalt  }
.Lfunc_end2:
_tile_overlayer_lowered:
.L_overlay_start_2:
0x8d: {  	(tag) =	ssettag $0x2  }
0x8e: {  	s0 =	rddreg [dreg:$0x0];
	s2 =	stileid.u32  }
0x8f: {  	s1 =	rddreg [dreg:$0x1];
	p0 =	sne.s32 s2, $0x0  }
0x90: {  	s3 =	rddreg [dreg:$0x2];
	[bflag:$0x3] =	sbarrier.arrive $0xFFFF;
	s2 =	simm.s32 @!p0 $0x1C02  }
0x91: {  	[timem:s3], [sflag:s2] =	dma.local @!p0 [hbm:s0], s1  }
0x92: {  	s0 =	simm.s32 @!p0 $0x2  }
0x93: {  	_ =	swait.ge @!p0 [sflag:s0], s1  }
0x94: {  	s1 =	ssub.s32 @!p0 $0x0, s1;
	[sflag:s0] =	ssyncset.done @!p0 $0x0  }
0x95: {  	[sflag:s0] =	ssyncadd.s32 @!p0 s1  }
0x96: {  	[bflag:$0x3] =	sbarrier.arrive $0xFFFF  }
0x97: {  	_ =	shalt  }

// kernel: kernel.14.cloned.1.call-start
scs
__scs_entry_jumppad:
0x0: {  	(pc) =	sbr.rel $0x88, $3  }
0x1: {  	(tag) =	ssettag $0x0;
	lr =	simm.s32 $0x1  }
0x2: {  	[smem:$0x3F99] =	sst lr;
	_ =	strace $0xD0000000  }
0x3: {  	_ = 	snop  }
0x4: {  	_ = 	snop  }
0x5: {  	_ = 	snop  }
0x6: {  	_ = 	snop  }
0x7: {  	_ = 	snop  }
__scs_overlays_trampoline_lowered:
0x8: {  	[smem:$0x3FA8] =	sst s0  }
0x9: {  	[smem:$0x3FA9] =	sst s1  }
0xa: {  	[smem:$0x3FAA] =	sst s2  }
0xb: {  	[smem:$0x3FAB] =	sst s3  }
0xc: {  	[smem:$0x3FAC] =	sst s4  }
0xd: {  	[smem:$0x3FAD] =	sst s5  }
0xe: {  	[smem:$0x3FAE] =	sst s6  }
0xf: {  	[smem:$0x3FAF] =	sst s7  }
0x10: {  	[smem:$0x3FB0] =	sst s8  }
0x11: {  	[smem:$0x3FB1] =	sst s9;
	s0 =	simm.s32 @!p0 $0x0  }
0x12: {  	s1 =	sld [smem:$0x3F97];
	s0 =	simm.s32 @p0 $0x1  }
0x13: {  	[smem:$0x3FB2] =	sst s0;
	s0 =	simm.s32 @!p1 $0x0  }
0x14: {  	s2 =	sld [smem:$0x3F96];
	s0 =	simm.s32 @p1 $0x1  }
0x15: {  	[smem:$0x3FB3] =	sst s0;
	s0 =	simm.s32 @!p2 $0x0  }
0x16: {  	s3 =	sld [smem:$0x3FDB];
	s0 =	simm.s32 @p2 $0x1  }
0x17: {  	s4 =	simm.s32 $0x1BF5;
	[smem:$0x3FB5] =	sst s0  }
0x18: {  	s0 =	sld [smem:$0x3F98];
	_ =	swait.ge [sflag:s4], $0x0  }
0x19: {  	s7 =	sld [smem:$0x3F99]  }
0x1a: {  	s8 =	sadd.s32 $0xFFFFE003, lr  }
0x1b: {  	s9 =	sadd.s32 $0xFFFFFEF7, lr;
	s5 =	simm.s32 $0xFFFFFFFF;
	p2 =	slt.u32 s8, $0xFFFFF086  }
0x1c: {  	p1 =	slt.u32 s9, $0xF7A;
	s5 =	simm.s32 @!p2 $0x0  }
0x1d: {  	s5 =	simm.s32 @p1 $0x1;
	p0 =	seq.s32 s7, s2  }
0x1e: {  	s7 =	smul.u32 @!p0 $0xF7A, s2;
	p2 =	seq.s32 @!p0 s5, $0x0  }
0x1f: {  	s9 =	smul.u32 $0xF7A, s1;
	s8 =	simm.s32 @!p0 $0x1BF5;
	p2 =	por !p2, p0  }
0x20: {  	[sflag:s8] =	ssyncset.s32 @!p0 $0xFFFFF086;
	s6 =	sadd.s32 @!p0 s3, s7;
	s7 =	simm.s32 @!p0 $0x108  }
0x21: {  	s3 =	sadd.s32 s3, s9;
	s6 =	sadd.s32 @!p0 $0x88, s6;
	s7 =	simm.s32 @p2 $0x1082  }
0x22: {  	[simem:s7], [sflag:s8] =	dma.local @!p0 [hbm:s6], $0xF7A  }
0x23: {  	s9 =	sor.u32 $0xD0000000, s2;
	s6 =	simm.s32 $0x108;
	_ =	swait.ge @!p0 [sflag:s8], $0x0  }
0x24: {  	s3 =	sadd.s32 $0x88, s3;
	s6 =	simm.s32 @!p1 $0x1082;
	[sflag:s4] =	ssyncset.s32 $0xFFFFF086  }
0x25: {  	[simem:s6], [sflag:s4] =	dma.local [hbm:s3], $0xF7A  }
0x26: {  	[smem:$0x3F99] =	sst s1;
	(tag) =	ssettag s2;
	_ =	strace s9  }
0x27: {  	s1 =	sld [smem:$0x3FA9]  }
0x28: {  	s2 =	sld [smem:$0x3FAA]  }
0x29: {  	s4 =	sld [smem:$0x3FAC]  }
0x2a: {  	p0 =	seq.s32 s5, $0x0;
	s5 =	sld [smem:$0x3FAD]  }
0x2b: {  	s6 =	sld [smem:$0x3FAE]  }
0x2c: {  	s7 =	sld [smem:$0x3FAF]  }
0x2d: {  	s3 =	simm.s32 $0x108;
	s8 =	sld [smem:$0x3FB0]  }
0x2e: {  	s3 =	simm.s32 @!p0 $0x1082;
	s9 =	sld [smem:$0x3FB1]  }
0x2f: {  	lr =	sadd.s32 s0, s3;
	s0 =	sld [smem:$0x3FA8]  }
0x30: {  	s3 =	sld [smem:$0x3FAB]  }
0x31: {  	[smem:$0x3FB4] =	sst s10  }
0x32: {  	s10 =	sld [smem:$0x3FB2];
	_ =	sdelay $0x3  }
0x33: {  	p0 =	seq.s32 s10, $0x1;
	s10 =	sld [smem:$0x3FB4];
	_ =	sdelay $0x3  }
0x34: {  	[smem:$0x3FB4] =	sst s10  }
0x35: {  	s10 =	sld [smem:$0x3FB3];
	_ =	sdelay $0x3  }
0x36: {  	p1 =	seq.s32 s10, $0x1;
	s10 =	sld [smem:$0x3FB4];
	_ =	sdelay $0x3  }
0x37: {  	[smem:$0x3FB4] =	sst s10  }
0x38: {  	s10 =	sld [smem:$0x3FB5]  }
0x39: {  	_ = 	snop;
	(pc) =	sbr.ind lr, $3  }
0x3a: {  	_ = 	snop  }
0x3b: {  	_ = 	snop  }
0x3c: {  	p2 =	seq.s32 s10, $0x1;
	s10 =	sld [smem:$0x3FB4]  }
0x3d: {  	_ =	shalt  }
0x3e: {  	_ =	shalt  }
0x3f: {  	_ =	shalt  }
0x40: {  	_ =	shalt  }
0x41: {  	_ =	shalt  }
0x42: {  	_ =	shalt  }
0x43: {  	_ =	shalt  }
0x44: {  	_ =	shalt  }
0x45: {  	_ =	shalt  }
0x46: {  	_ =	shalt  }
0x47: {  	_ =	shalt  }
0x48: {  	_ =	shalt  }
0x49: {  	_ =	shalt  }
0x4a: {  	_ =	shalt  }
0x4b: {  	_ =	shalt  }
0x4c: {  	_ =	shalt  }
0x4d: {  	_ =	shalt  }
0x4e: {  	_ =	shalt  }
0x4f: {  	_ =	shalt  }
0x50: {  	_ =	shalt  }
0x51: {  	_ =	shalt  }
0x52: {  	_ =	shalt  }
0x53: {  	_ =	shalt  }
0x54: {  	_ =	shalt  }
0x55: {  	_ =	shalt  }
0x56: {  	_ =	shalt  }
0x57: {  	_ =	shalt  }
0x58: {  	_ =	shalt  }
0x59: {  	_ =	shalt  }
0x5a: {  	_ =	shalt  }
0x5b: {  	_ =	shalt  }
0x5c: {  	_ =	shalt  }
0x5d: {  	_ =	shalt  }
0x5e: {  	_ =	shalt  }
0x5f: {  	_ =	shalt  }
0x60: {  	_ =	shalt  }
0x61: {  	_ =	shalt  }
0x62: {  	_ =	shalt  }
0x63: {  	_ =	shalt  }
0x64: {  	_ =	shalt  }
0x65: {  	_ =	shalt  }
0x66: {  	_ =	shalt  }
0x67: {  	_ =	shalt  }
0x68: {  	_ =	shalt  }
0x69: {  	_ =	shalt  }
0x6a: {  	_ =	shalt  }
0x6b: {  	_ =	shalt  }
0x6c: {  	_ =	shalt  }
0x6d: {  	_ =	shalt  }
0x6e: {  	_ =	shalt  }
0x6f: {  	_ =	shalt  }
0x70: {  	_ =	shalt  }
0x71: {  	_ =	shalt  }
0x72: {  	_ =	shalt  }
0x73: {  	_ =	shalt  }
0x74: {  	_ =	shalt  }
0x75: {  	_ =	shalt  }
0x76: {  	_ =	shalt  }
0x77: {  	_ =	shalt  }
0x78: {  	_ =	shalt  }
0x79: {  	_ =	shalt  }
0x7a: {  	_ =	shalt  }
0x7b: {  	_ =	shalt  }
0x7c: {  	_ =	shalt  }
0x7d: {  	_ =	shalt  }
0x7e: {  	_ =	shalt  }
0x7f: {  	_ =	shalt  }
0x80: {  	_ =	shalt  }
0x81: {  	_ =	shalt  }
0x82: {  	_ =	shalt  }
0x83: {  	_ =	shalt  }
0x84: {  	_ =	shalt  }
0x85: {  	_ =	shalt  }
0x86: {  	_ =	shalt  }
0x87: {  	_ =	shalt  }
.Lfunc_end0:
.L_simem_size_0:
called_computation.2_lowered:
.L_overlay_start_0:
0x88: {  	s2 =	sld [smem:$0x3FD9]  }
0x89: {  	s3 =	sld [smem:$0x3FFE];
	_ =	sdelay $0x1  }
0x8a: {  	s1 =	srdreg.scid  }
0x8b: {  	s0 =	sand.u32 $0x1, s1  }
0x8c: {  	s16 =	sshll.u32 s0, $0xA;
	s2 =	sadd.s32 s3, s2  }
0x8d: {  	s2 =	sadd.s32 s2, s16  }
0x8e: {  	[smem:$0x3FC0] =	sst s2  }
0x8f: {  	_ = 	snop  }
0x90: {  	(tm) =	ssettm $0x1  }
0x91: {  	s17 =	sld [smem:$0x3FFB];
	_ =	sdelay $0x3  }
0x92: {  	_ =	strace s17  }
0x93: {  	s2 =	sld [smem:$0x3FFC];
	_ =	sdelay $0x3  }
0x94: {  	_ =	strace s2  }
0x95: {  	s2 =	sld [smem:$0x3FFD];
	_ =	sdelay $0x3  }
0x96: {  	_ =	strace s2  }
0x97: {  	_ =	strace $0x8FFFFFFF  }
0x98: {  	s18 =	sld [smem:$0x3FDB];
	_ =	sdelay $0x1  }
0x99: {  	s19 =	simm.s32 $_scs_section_size  }
0x9a: {  	s4 =	simm.s32 $_size__tile_overlayer_lowered;
	s5 =	simm.s32 $_tile_overlayer_lowered  }
0x9b: {  	s22 =	simm.s32 $0x1BFF;
	s21 =	sshll.u32 s5, $0x1;
	s2 =	sadd.s32 s19, s18  }
0x9c: {  	s6 =	simm.s32 $0x0;
	s20 =	sshll.u32 s4, $0x1;
	s4 =	sadd.s32 s21, s2  }
0x9d: {  	[timem:s6], [sflag:s22] =	dma.local [hbm:s4], s20  }
0x9e: {  	_ =	swait.ge [sflag:s22], s20  }
0x9f: {  	s3 =	ssub.s32 $0x0, s20;
	[sflag:s22] =	ssyncset.done $0x0  }
0xa0: {  	[sflag:s22] =	ssyncadd.s32 s3;
	_ =	sdelay $0x1  }
0xa1: {  	s23 =	simm.s32 $0x1B8B  }
0xa2: {  	_ =	swait.ge [sflag:s23], $0x1  }
0xa3: {  	[sflag:s23] =	ssyncset.done $0x0  }
0xa4: {  	s25 =	simm.s32 $0x1B8E;
	s24 =	sld [smem:$0x3FFE];
	[sflag:s23] =	ssyncadd.s32 $0xFFFFFFFF  }
0xa5: {  	s26 =	simm.s32 $execute0_lowered;
	[smem:$0x3FD2] =	sst s25  }
0xa6: {  	s4 =	sshll.u32 s26, $0x1;
	_ =	strace $0x8000004C;
	[dreg:$0x1] =	wrdreg $0xFFFFFFFF  }
0xa7: {  	s28 =	simm.s32 $_size_execute0_lowered;
	s2 =	sadd.s32 s2, s4;
	[dreg:$0x0] =	wrdreg $0x0  }
0xa8: {  	s4 =	sshll.u32 s28, $0x1;
	[dreg:$0x2] =	wrdreg s2  }
0xa9: {  	[dreg:$0x3] =	wrdreg s4  }
0xaa: {  	[dreg:$0x4] =	wrdreg $0xC0  }
0xab: {  	_ =	task [dreg:s6], $0x5FFFF  }
0xac: {  	[dreg:$0x1] =	wrdreg $0xFFFFFFFF  }
0xad: {  	[dreg:$0x0] =	wrdreg $0x60  }
0xae: {  	[dreg:$0x2] =	wrdreg s24  }
0xaf: {  	[dreg:$0x3] =	wrdreg $0x98000  }
0xb0: {  	[dreg:$0x4] =	wrdreg $0x9  }
0xb1: {  	_ =	task.clear_ibuf [dreg:s6], $0x5FFFF;
	_ =	strace $0x9000004C  }
0xb2: {  	s29 =	simm.s32 $0x9;
	_ =	strace $0x8000004E  }
0xb3: {  	_ =	swait.ge [sflag:s29], $0x1  }
0xb4: {  	[sflag:s29] =	ssyncadd.s32 $0xFFFFFFFF  }
0xb5: {  	_ =	strace $0x9000004E  }
0xb6: {  	_ =	sfence  }
0xb7: {  	s30 =	sld [smem:$0x0];
	_ =	sdelay $0x2  }
0xb8: {  	s31 =	sshll.u32 s1, $0xD;
	s1 =	sshrl.u32 s1, $0x2  }
0xb9: {  	s3 =	sand.u32 $0x4000, s31;
	s1 =	sadd.s32 s1, s30  }
0xba: {  	s0 =	sor.u32 s3, s0;
	s1 =	sshll.u32 s1, $0x11  }
0xbb: {  	s0 =	sor.u32 s1, s0  }
0xbc: {  	s0 =	sadd.s32 $0x8F2B, s0  }
0xbd: {  	[sflag:s0] =	ssyncadd.remote.s32 $0x1  }
0xbe: {  	_ =	sfence.sel $0xFFFF  }
0xbf: {  	[dreg:$0x0] =	wrdreg $0xFFFFFFFF;
	(pc) =	sbr.abs _section_cstart, $3  }
0xc0: {  	[dreg:$0x1] =	wrdreg $0xFFFFFFFF  }
0xc1: {  	_ =	task.clear_ibuf [dreg:s6], $0x2FFFF;
	_ =	strace $0x9FFFFFFF  }
0xc2: {  	(tm) =	ssettm $0x7FFFFFFF  }
0xc3: {  	_ =	shalt  }
tec
execute0_lowered:
.L_overlay_start_1:
0x0: {  	(tag) =	ssettag $0x1  }
0x1: {  	s0 =	srdreg.scid;
	s2 =	stileid.u32  }
0x2: {  	s3 =	rddreg [dreg:$0x0];
	s8 =	smul.u32 $0x4E000, s2  }
0x3: {  	s1 =	rddreg [dreg:$0x1];
	s5 =	simm.s32 $0x0;
	s9 =	smul.u32 $0x50000, s2  }
0x4: {  	s28 =	simm.s32 $0x2;
	s29 =	simm.s32 $0x2C00;
	s26 =	smul.u32 $0x2700, s2  }
0x5: {  	s30 =	simm.s32 $0x80;
	s31 =	simm.s32 $0x1;
	s17 =	smul.u32 $0x280, s2  }
0x6: {  	s0 =	sand.u32 $0x1, s0;
	[smem:$0x7FF] =	sst s5;
	s18 =	smul.u32 $0x2800, s2  }
0x7: {  	p1 =	sne.s32 s2, $0x0;
	s4 =	sshll.u32 s0, $0x4;
	_ =	strace $0x8000004D  }
0x8: {  	s6 =	smul.u32 $0x28000, s0;
	s7 =	ssub.s32 $0x2, s0;
	p0 =	seq.s32 s0, $0x1  }
0x9: {  	s0 =	simm.s32 $0x0;
	s4 =	sor.u32 s2, s4;
	s24 =	sshrl.u32 s7, $0x1  }
0xa: {  	s25 =	sshrl.u32 s8, $0x2;
	s15 =	sshrl.u32 s9, $0x2;
	s20 =	sadd.s32 $0x80, s17  }
0xb: {  	s21 =	sadd.s32 $0x100, s17;
	s22 =	sadd.s32 $0x180, s17;
	s23 =	smul.u32 $0x580, s4  }
0xc: {  	s4 =	sadd.s32 $0x18C00, s3;
	s12 =	sadd.s32 s6, s3;
	s19 =	ssub.s32 s7, s24  }
0xd: {  	s8 =	sadd.s32 s25, s1;
	s25 =	sadd.s32 $0x138000, s1;
	s6 =	sadd.s32 s15, s1  }
0xe: {  	s13 =	sshll.u32 s20, $0x4;
	s14 =	sshll.u32 s21, $0x4;
	s15 =	sshll.u32 s22, $0x4  }
0xf: {  	s20 =	sshll.u32 s20, $0x7;
	s24 =	sshll.u32 s22, $0x7;
	s7 =	sadd.s32 s4, s26  }
0x10: {  	s16 =	sadd.s32 $0x4000, s6;
	s9 =	sadd.s32 $0x8000, s6;
	s10 =	sadd.s32 $0xC000, s6  }
0x11: {  	s11 =	sadd.s32 $0x10000, s6;
	s19 =	smax.u32 s19, $0x1;
	s25 =	sshrl.u32 @!p1 s25, $0x3  }
0x12: {  	s5 =	sadd.s32 s23, s3;
	[dreg:$0x3] =	wrdreg s7;
	s3 =	sadd.s32 $0x3FC00, s3  }
0x13: {  	[dreg:$0x5] =	wrdreg s16;
	s16 =	sadd.s32 $0x3FE00, s12;
	s23 =	sshll.u32 s21, $0x7  }
0x14: {  	[dreg:$0x4] =	wrdreg s3;
	s3 =	sadd.s32 $0x200, s17;
	s12 =	sadd.s32 s18, s16  }
0x15: {  	s13 =	sadd.s32 s13, s16;
	s14 =	sadd.s32 s14, s16;
	s15 =	sadd.s32 s15, s16  }
0x16: {  	s18 =	sadd.s32 $0x2200, s5;
	s26 =	sadd.s32 s23, s1;
	s23 =	sadd.s32 s24, s1  }
0x17: {  	s24 =	sshrl.u32 s8, $0x3;
	s17 =	sshll.u32 s3, $0x4;
	s3 =	sshll.u32 s3, $0x7  }
0x18: {  	s21 =	sshrl.u32 s26, $0x3;
	s22 =	sshrl.u32 s23, $0x3;
	s16 =	sadd.s32 s17, s16  }
0x19: {  	s17 =	sadd.s32 $0xDC00, s5;
	s5 =	sadd.s32 s20, s1;
	s3 =	sadd.s32 s3, s1  }
0x1a: {  	v0 =	vimm.f32 $0.0e+00;
	s26 =	simm.s32 $0x5800;
	s20 =	sshrl.u32 s5, $0x3;
	s23 =	sshrl.u32 s3, $0x3  }
.LBB2_1:
.Ltmp0:
0x1b: {  	(pc) =	sbr.rel @!p0 .LBB2_2-.Ltmp0, $1  }
0x1c: {  	_ =	sdelay $0x3  }
0x1d: {  	s5 =	simm.s32 $0x0  }
0x1e: {  	s3 =	sshra.s32 s5, $0x2;
	s5 =	sadd.s32 $0x200, s5  }
.LBB2_4:
0x1f: {  	p2 =	sne.s32 s5, $0xFE00;
	[tilespmem:s3+$0x5870] =	vst v0  }
0x20: {  	[tilespmem:s3+$0x5800] =	vst v0  }
0x21: {  	[tilespmem:s3+$0x5810] =	vst v0  }
.Ltmp1:
0x22: {  	[tilespmem:s3+$0x5820] =	vst v0;
	(pc) =	sbr.rel @p2 .LBB2_4-.Ltmp1, $4  }
0x23: {  	[tilespmem:s3+$0x5830] =	vst v0  }
0x24: {  	[tilespmem:s3+$0x5840] =	vst v0  }
0x25: {  	[tilespmem:s3+$0x5850] =	vst v0  }
0x26: {  	[tilespmem:s3+$0x5860] =	vst v0;
	s3 =	sshra.s32 s5, $0x2;
	s5 =	sadd.s32 $0x200, s5  }
0x27: {  	[tilespmem:s3+$0x5870] =	vst v0  }
0x28: {  	[tilespmem:s3+$0x5800] =	vst v0  }
0x29: {  	[tilespmem:s3+$0x5810] =	vst v0  }
0x2a: {  	[tilespmem:s3+$0x5820] =	vst v0  }
0x2b: {  	[tilespmem:s3+$0x5830] =	vst v0  }
0x2c: {  	[tilespmem:s3+$0x5840] =	vst v0  }
0x2d: {  	[tilespmem:s3+$0x5850] =	vst v0  }
0x2e: {  	[tilespmem:s3+$0x5860] =	vst v0  }
0x2f: {  	[spmem:s6] =	stream.linear.scatter [tilespmem:s26], [sflag:$0x2], $0x4000, $0x38;
	[tilespmem:$0x1D800] =	vst v63  }
0x30: {  	_ =	swait.ge [sflag:s28], $0x4000  }
0x31: {  	[sflag:s28] =	ssyncset.done $0x0  }
0x32: {  	s8 =	rddreg [dreg:$0x5];
	[sflag:s28] =	ssyncadd.s32 $0xFFFFC000  }
0x33: {  	[spmem:s8] =	stream.linear.scatter [tilespmem:s26], [sflag:$0x2], $0x4000, $0x38;
	[tilespmem:$0x1D800] =	vst v63  }
0x34: {  	_ =	swait.ge [sflag:s28], $0x4000  }
0x35: {  	[sflag:s28] =	ssyncset.done $0x0  }
0x36: {  	[sflag:s28] =	ssyncadd.s32 $0xFFFFC000  }
0x37: {  	[spmem:s9] =	stream.linear.scatter [tilespmem:s26], [sflag:$0x2], $0x4000, $0x38;
	[tilespmem:$0x1D800] =	vst v63  }
0x38: {  	_ =	swait.ge [sflag:s28], $0x4000  }
0x39: {  	[sflag:s28] =	ssyncset.done $0x0  }
0x3a: {  	[sflag:s28] =	ssyncadd.s32 $0xFFFFC000  }
0x3b: {  	[spmem:s10] =	stream.linear.scatter [tilespmem:s26], [sflag:$0x2], $0x4000, $0x38;
	[tilespmem:$0x1D800] =	vst v63  }
0x3c: {  	_ =	swait.ge [sflag:s28], $0x4000  }
0x3d: {  	[sflag:s28] =	ssyncset.done $0x0  }
.Ltmp2:
0x3e: {  	[sflag:s28] =	ssyncadd.s32 $0xFFFFC000;
	(pc) =	sbr.rel .LBB2_6-.Ltmp2, $4  }
0x3f: {  	[spmem:s11] =	stream.linear.scatter [tilespmem:s26], [sflag:$0x2], $0x4000, $0x38;
	[tilespmem:$0x1D800] =	vst v63  }
0x40: {  	_ =	swait.ge [sflag:s28], $0x4000  }
0x41: {  	[sflag:s28] =	ssyncset.done $0x0  }
0x42: {  	[sflag:s28] =	ssyncadd.s32 $0xFFFFC000  }
.LBB2_2:
0x43: {  	s3 =	sshll.u32 s2, $0x6  }
0x44: {  	s5 =	rddreg [dreg:$0x3];
	s3 =	sor.u32 $0x1C02, s3  }
0x45: {  	[spmem:s24], [sflag:s3] =	dma.local [hbm:s5], $0x2700  }
0x46: {  	_ =	swait.ge [sflag:s28], $0x2700  }
0x47: {  	[sflag:s28] =	ssyncset.done $0x0  }
0x48: {  	s5 =	rddreg [dreg:$0x4];
	[sflag:s28] =	ssyncadd.s32 $0xFFFFD900  }
0x49: {  	[spmem:s25], [sflag:s3] =	dma.local @!p1 [hbm:s5], $0x100  }
0x4a: {  	s3 =	simm.s32 @!p1 $0x2  }
0x4b: {  	_ =	swait.ge @!p1 [sflag:s3], $0x100  }
0x4c: {  	[sflag:s3] =	ssyncset.done @!p1 $0x0  }
0x4d: {  	[sflag:s3] =	ssyncadd.s32 @!p1 $0xFFFFFF00  }
.LBB2_6:
0x4e: {  	s3 =	simm.s32 $0x0  }
0x4f: {  	[tilespmem:s3], [sflag:$0x2] =	stream.linear.gather [hbm4b:s17+s3], $0x2880, $0x38;
	[tilespmem:$0x1D800] =	vst v63  }
0x50: {  	_ =	swait.ge [sflag:s28], $0x2880  }
0x51: {  	[sflag:s28] =	ssyncset.done $0x0  }
0x52: {  	[sflag:s28] =	ssyncadd.s32 $0xFFFFD780  }
0x53: {  	[tilespmem:s29], [sflag:$0x2] =	stream.linear.gather [hbm4b:s18+s3], $0x2880, $0x38;
	[tilespmem:$0x1D800] =	vst v63  }
0x54: {  	_ =	swait.ge [sflag:s28], $0x2880  }
0x55: {  	[sflag:s28] =	ssyncset.done $0x0  }
0x56: {  	[sflag:s28] =	ssyncadd.s32 $0xFFFFD780  }
0x57: {  	s7 =	simm.s32 $0x0;
	[bflag:$0x0] =	sbarrier.arrive $0xFFFF  }
0x58: {  	[tilespmem:s26], [sflag:$0x1] =	stream.indirect.gather [hbm4b:s4+s30], $0x80, s7, s30, $0xb8;
	[tilespmem:$0x1D800] =	vst v63  }
0x59: {  	_ =	swait.ge [sflag:s31], $0x4000  }
0x5a: {  	[sflag:s31] =	ssyncset.done $0x0  }
0x5b: {  	s8 =	simm.s32 $0x2C00;
	[sflag:s31] =	ssyncadd.s32 $0xFFFFC000  }
0x5c: {  	[spmem:s1] =	stream.indirect.scatter.add.f32 [tilespmem:s26], [sflag:$0x2], $0x80, s8, s30, $0xb8;
	[tilespmem:$0x1D800] =	vst v63  }
0x5d: {  	_ =	swait.ge [sflag:s28], $0x4000  }
0x5e: {  	s5 =	simm.s32 $0x400;
	s3 =	simm.s32 $0x200;
	[sflag:s28] =	ssyncset.done $0x0  }
.LBB2_7:
0x5f: {  	s7 =	sshra.s32 s3, $0x2  }
0x60: {  	[sflag:s28] =	ssyncadd.s32 $0xFFFFC000;
	s3 =	smov.u32 s5;
	s8 =	sadd.s32 $0x200, s5  }
0x61: {  	[tilespmem:s26], [sflag:$0x1] =	stream.indirect.gather [hbm4b:s4+s30], $0x80, s7, s30, $0xb8;
	[tilespmem:$0x1D800] =	vst v63  }
0x62: {  	p2 =	sne.s32 s5, $0xA000;
	_ =	swait.ge [sflag:s31], $0x4000  }
.Ltmp3:
0x63: {  	[sflag:s31] =	ssyncset.done $0x0;
	(pc) =	sbr.rel @p2 .LBB2_7-.Ltmp3, $4  }
0x64: {  	s5 =	sadd.s32 $0x2C00, s7;
	[sflag:s31] =	ssyncadd.s32 $0xFFFFC000  }
0x65: {  	[spmem:s1] =	stream.indirect.scatter.add.f32 [tilespmem:s26], [sflag:$0x2], $0x80, s5, s30, $0xb8;
	[tilespmem:$0x1D800] =	vst v63  }
0x66: {  	_ =	swait.ge [sflag:s28], $0x4000  }
0x67: {  	s5 =	smov.u32 s8;
	[sflag:s28] =	ssyncset.done $0x0  }
0x68: {  	s3 =	sshra.s32 s3, $0x2;
	[sflag:s28] =	ssyncadd.s32 $0xFFFFC000  }
0x69: {  	[tilespmem:s26], [sflag:$0x1] =	stream.indirect.gather [hbm4b:s4+s30], $0x80, s3, s30, $0xb8;
	[tilespmem:$0x1D800] =	vst v63  }
0x6a: {  	_ =	swait.ge [sflag:s31], $0x4000  }
0x6b: {  	[sflag:s31] =	ssyncset.done $0x0  }
0x6c: {  	s3 =	sadd.s32 $0x2C00, s3;
	[sflag:s31] =	ssyncadd.s32 $0xFFFFC000  }
0x6d: {  	[spmem:s1] =	stream.indirect.scatter.add.f32 [tilespmem:s26], [sflag:$0x2], $0x80, s3, s30, $0xb8;
	[tilespmem:$0x1D800] =	vst v63  }
0x6e: {  	_ =	swait.ge [sflag:s28], $0x4000  }
0x6f: {  	[sflag:s28] =	ssyncset.done $0x0  }
0x70: {  	s8 =	sshll.u32 s2, $0x6;
	[sflag:s28] =	ssyncadd.s32 $0xFFFFC000  }
0x71: {  	s5 =	sshrl.u32 s6, $0x3;
	s3 =	sor.u32 $0x1C02, s8;
	[bflag:$0x0] =	sbarrier.arrive $0xFFFF  }
0x72: {  	[hbm:s12], [sflag:s3] =	dma.local [spmem:s5], $0x800  }
0x73: {  	_ =	swait.ge [sflag:s28], $0x800  }
0x74: {  	[sflag:s28] =	ssyncset.done $0x0  }
0x75: {  	[sflag:s28] =	ssyncadd.s32 $0xFFFFF800  }
0x76: {  	[hbm:s13], [sflag:s3] =	dma.local [spmem:s20], $0x800  }
0x77: {  	_ =	swait.ge [sflag:s28], $0x800  }
0x78: {  	[sflag:s28] =	ssyncset.done $0x0  }
0x79: {  	[sflag:s28] =	ssyncadd.s32 $0xFFFFF800  }
0x7a: {  	[hbm:s14], [sflag:s3] =	dma.local [spmem:s21], $0x800  }
0x7b: {  	_ =	swait.ge [sflag:s28], $0x800  }
0x7c: {  	[sflag:s28] =	ssyncset.done $0x0  }
0x7d: {  	[sflag:s28] =	ssyncadd.s32 $0xFFFFF800  }
0x7e: {  	[hbm:s15], [sflag:s3] =	dma.local [spmem:s22], $0x800  }
0x7f: {  	s0 =	sadd.s32 $0x1, s0;
	_ =	swait.ge [sflag:s28], $0x800  }
0x80: {  	p2 =	sne.s32 s0, s19;
	[sflag:s28] =	ssyncset.done $0x0  }
.Ltmp4:
0x81: {  	[sflag:s28] =	ssyncadd.s32 $0xFFFFF800;
	(pc) =	sbr.rel @p2 .LBB2_1-.Ltmp4, $4  }
0x82: {  	[hbm:s16], [sflag:s3] =	dma.local [spmem:s23], $0x800  }
0x83: {  	_ =	swait.ge [sflag:s28], $0x800  }
0x84: {  	[sflag:s28] =	ssyncset.done $0x0  }
0x85: {  	[sflag:s28] =	ssyncadd.s32 $0xFFFFF800  }
0x86: {  	_ =	sfence.sel $0x180000  }
0x87: {  	[bflag:$0x0] =	sbarrier.arrive $0xFFFF  }
0x88: {  	_ =	strace $0x9000004D  }
0x89: {  	[bflag:$0x2] =	sbarrier.arrive $0xFFFF  }
0x8a: {  	s0 =	rddreg [dreg:$0x2]  }
0x8b: {  	s0 =	sadd.s32 @!p1 $0x100000, s0  }
0x8c: {  	[sflag:s0] =	ssyncadd.tile.s32 @!p1 $0x1;
	_ =	shalt  }
.Lfunc_end2:
_tile_overlayer_lowered:
.L_overlay_start_2:
0x8d: {  	(tag) =	ssettag $0x2  }
0x8e: {  	s0 =	rddreg [dreg:$0x0];
	s2 =	stileid.u32  }
0x8f: {  	s1 =	rddreg [dreg:$0x1];
	p0 =	sne.s32 s2, $0x0  }
0x90: {  	s3 =	rddreg [dreg:$0x2];
	[bflag:$0x3] =	sbarrier.arrive $0xFFFF;
	s2 =	simm.s32 @!p0 $0x1C02  }
0x91: {  	[timem:s3], [sflag:s2] =	dma.local @!p0 [hbm:s0], s1  }
0x92: {  	s0 =	simm.s32 @!p0 $0x2  }
0x93: {  	_ =	swait.ge @!p0 [sflag:s0], s1  }
0x94: {  	s1 =	ssub.s32 @!p0 $0x0, s1;
	[sflag:s0] =	ssyncset.done @!p0 $0x0  }
0x95: {  	[sflag:s0] =	ssyncadd.s32 @!p0 s1  }
0x96: {  	[bflag:$0x3] =	sbarrier.arrive $0xFFFF  }
0x97: {  	_ =	shalt  }

// kernel: kernel.8.cloned.1.call-start
scs
__scs_entry_jumppad:
0x0: {  	(pc) =	sbr.rel $0x88, $3  }
0x1: {  	(tag) =	ssettag $0x0;
	lr =	simm.s32 $0x1  }
0x2: {  	[smem:$0x3F99] =	sst lr;
	_ =	strace $0xD0000000  }
0x3: {  	_ = 	snop  }
0x4: {  	_ = 	snop  }
0x5: {  	_ = 	snop  }
0x6: {  	_ = 	snop  }
0x7: {  	_ = 	snop  }
__scs_overlays_trampoline_lowered:
0x8: {  	[smem:$0x3FA8] =	sst s0  }
0x9: {  	[smem:$0x3FA9] =	sst s1  }
0xa: {  	[smem:$0x3FAA] =	sst s2  }
0xb: {  	[smem:$0x3FAB] =	sst s3  }
0xc: {  	[smem:$0x3FAC] =	sst s4  }
0xd: {  	[smem:$0x3FAD] =	sst s5  }
0xe: {  	[smem:$0x3FAE] =	sst s6  }
0xf: {  	[smem:$0x3FAF] =	sst s7  }
0x10: {  	[smem:$0x3FB0] =	sst s8  }
0x11: {  	[smem:$0x3FB1] =	sst s9;
	s0 =	simm.s32 @!p0 $0x0  }
0x12: {  	s1 =	sld [smem:$0x3F97];
	s0 =	simm.s32 @p0 $0x1  }
0x13: {  	[smem:$0x3FB2] =	sst s0;
	s0 =	simm.s32 @!p1 $0x0  }
0x14: {  	s2 =	sld [smem:$0x3F96];
	s0 =	simm.s32 @p1 $0x1  }
0x15: {  	[smem:$0x3FB3] =	sst s0;
	s0 =	simm.s32 @!p2 $0x0  }
0x16: {  	s3 =	sld [smem:$0x3FDB];
	s0 =	simm.s32 @p2 $0x1  }
0x17: {  	s4 =	simm.s32 $0x1BF5;
	[smem:$0x3FB5] =	sst s0  }
0x18: {  	s0 =	sld [smem:$0x3F98];
	_ =	swait.ge [sflag:s4], $0x0  }
0x19: {  	s7 =	sld [smem:$0x3F99]  }
0x1a: {  	s8 =	sadd.s32 $0xFFFFE003, lr  }
0x1b: {  	s9 =	sadd.s32 $0xFFFFFEF7, lr;
	s5 =	simm.s32 $0xFFFFFFFF;
	p2 =	slt.u32 s8, $0xFFFFF086  }
0x1c: {  	p1 =	slt.u32 s9, $0xF7A;
	s5 =	simm.s32 @!p2 $0x0  }
0x1d: {  	s5 =	simm.s32 @p1 $0x1;
	p0 =	seq.s32 s7, s2  }
0x1e: {  	s7 =	smul.u32 @!p0 $0xF7A, s2;
	p2 =	seq.s32 @!p0 s5, $0x0  }
0x1f: {  	s9 =	smul.u32 $0xF7A, s1;
	s8 =	simm.s32 @!p0 $0x1BF5;
	p2 =	por !p2, p0  }
0x20: {  	[sflag:s8] =	ssyncset.s32 @!p0 $0xFFFFF086;
	s6 =	sadd.s32 @!p0 s3, s7;
	s7 =	simm.s32 @!p0 $0x108  }
0x21: {  	s3 =	sadd.s32 s3, s9;
	s6 =	sadd.s32 @!p0 $0x88, s6;
	s7 =	simm.s32 @p2 $0x1082  }
0x22: {  	[simem:s7], [sflag:s8] =	dma.local @!p0 [hbm:s6], $0xF7A  }
0x23: {  	s9 =	sor.u32 $0xD0000000, s2;
	s6 =	simm.s32 $0x108;
	_ =	swait.ge @!p0 [sflag:s8], $0x0  }
0x24: {  	s3 =	sadd.s32 $0x88, s3;
	s6 =	simm.s32 @!p1 $0x1082;
	[sflag:s4] =	ssyncset.s32 $0xFFFFF086  }
0x25: {  	[simem:s6], [sflag:s4] =	dma.local [hbm:s3], $0xF7A  }
0x26: {  	[smem:$0x3F99] =	sst s1;
	(tag) =	ssettag s2;
	_ =	strace s9  }
0x27: {  	s1 =	sld [smem:$0x3FA9]  }
0x28: {  	s2 =	sld [smem:$0x3FAA]  }
0x29: {  	s4 =	sld [smem:$0x3FAC]  }
0x2a: {  	p0 =	seq.s32 s5, $0x0;
	s5 =	sld [smem:$0x3FAD]  }
0x2b: {  	s6 =	sld [smem:$0x3FAE]  }
0x2c: {  	s7 =	sld [smem:$0x3FAF]  }
0x2d: {  	s3 =	simm.s32 $0x108;
	s8 =	sld [smem:$0x3FB0]  }
0x2e: {  	s3 =	simm.s32 @!p0 $0x1082;
	s9 =	sld [smem:$0x3FB1]  }
0x2f: {  	lr =	sadd.s32 s0, s3;
	s0 =	sld [smem:$0x3FA8]  }
0x30: {  	s3 =	sld [smem:$0x3FAB]  }
0x31: {  	[smem:$0x3FB4] =	sst s10  }
0x32: {  	s10 =	sld [smem:$0x3FB2];
	_ =	sdelay $0x3  }
0x33: {  	p0 =	seq.s32 s10, $0x1;
	s10 =	sld [smem:$0x3FB4];
	_ =	sdelay $0x3  }
0x34: {  	[smem:$0x3FB4] =	sst s10  }
0x35: {  	s10 =	sld [smem:$0x3FB3];
	_ =	sdelay $0x3  }
0x36: {  	p1 =	seq.s32 s10, $0x1;
	s10 =	sld [smem:$0x3FB4];
	_ =	sdelay $0x3  }
0x37: {  	[smem:$0x3FB4] =	sst s10  }
0x38: {  	s10 =	sld [smem:$0x3FB5]  }
0x39: {  	_ = 	snop;
	(pc) =	sbr.ind lr, $3  }
0x3a: {  	_ = 	snop  }
0x3b: {  	_ = 	snop  }
0x3c: {  	p2 =	seq.s32 s10, $0x1;
	s10 =	sld [smem:$0x3FB4]  }
0x3d: {  	_ =	shalt  }
0x3e: {  	_ =	shalt  }
0x3f: {  	_ =	shalt  }
0x40: {  	_ =	shalt  }
0x41: {  	_ =	shalt  }
0x42: {  	_ =	shalt  }
0x43: {  	_ =	shalt  }
0x44: {  	_ =	shalt  }
0x45: {  	_ =	shalt  }
0x46: {  	_ =	shalt  }
0x47: {  	_ =	shalt  }
0x48: {  	_ =	shalt  }
0x49: {  	_ =	shalt  }
0x4a: {  	_ =	shalt  }
0x4b: {  	_ =	shalt  }
0x4c: {  	_ =	shalt  }
0x4d: {  	_ =	shalt  }
0x4e: {  	_ =	shalt  }
0x4f: {  	_ =	shalt  }
0x50: {  	_ =	shalt  }
0x51: {  	_ =	shalt  }
0x52: {  	_ =	shalt  }
0x53: {  	_ =	shalt  }
0x54: {  	_ =	shalt  }
0x55: {  	_ =	shalt  }
0x56: {  	_ =	shalt  }
0x57: {  	_ =	shalt  }
0x58: {  	_ =	shalt  }
0x59: {  	_ =	shalt  }
0x5a: {  	_ =	shalt  }
0x5b: {  	_ =	shalt  }
0x5c: {  	_ =	shalt  }
0x5d: {  	_ =	shalt  }
0x5e: {  	_ =	shalt  }
0x5f: {  	_ =	shalt  }
0x60: {  	_ =	shalt  }
0x61: {  	_ =	shalt  }
0x62: {  	_ =	shalt  }
0x63: {  	_ =	shalt  }
0x64: {  	_ =	shalt  }
0x65: {  	_ =	shalt  }
0x66: {  	_ =	shalt  }
0x67: {  	_ =	shalt  }
0x68: {  	_ =	shalt  }
0x69: {  	_ =	shalt  }
0x6a: {  	_ =	shalt  }
0x6b: {  	_ =	shalt  }
0x6c: {  	_ =	shalt  }
0x6d: {  	_ =	shalt  }
0x6e: {  	_ =	shalt  }
0x6f: {  	_ =	shalt  }
0x70: {  	_ =	shalt  }
0x71: {  	_ =	shalt  }
0x72: {  	_ =	shalt  }
0x73: {  	_ =	shalt  }
0x74: {  	_ =	shalt  }
0x75: {  	_ =	shalt  }
0x76: {  	_ =	shalt  }
0x77: {  	_ =	shalt  }
0x78: {  	_ =	shalt  }
0x79: {  	_ =	shalt  }
0x7a: {  	_ =	shalt  }
0x7b: {  	_ =	shalt  }
0x7c: {  	_ =	shalt  }
0x7d: {  	_ =	shalt  }
0x7e: {  	_ =	shalt  }
0x7f: {  	_ =	shalt  }
0x80: {  	_ =	shalt  }
0x81: {  	_ =	shalt  }
0x82: {  	_ =	shalt  }
0x83: {  	_ =	shalt  }
0x84: {  	_ =	shalt  }
0x85: {  	_ =	shalt  }
0x86: {  	_ =	shalt  }
0x87: {  	_ =	shalt  }
.Lfunc_end0:
.L_simem_size_0:
called_computation_lowered:
.L_overlay_start_0:
0x88: {  	s2 =	sld [smem:$0x3FD9]  }
0x89: {  	s3 =	sld [smem:$0x3FFE];
	_ =	sdelay $0x1  }
0x8a: {  	s1 =	srdreg.scid  }
0x8b: {  	s0 =	sand.u32 $0x1, s1  }
0x8c: {  	s16 =	sshll.u32 s0, $0xA;
	s2 =	sadd.s32 s3, s2  }
0x8d: {  	s2 =	sadd.s32 s2, s16  }
0x8e: {  	[smem:$0x3FC0] =	sst s2  }
0x8f: {  	_ = 	snop  }
0x90: {  	(tm) =	ssettm $0x1  }
0x91: {  	s17 =	sld [smem:$0x3FFB];
	_ =	sdelay $0x3  }
0x92: {  	_ =	strace s17  }
0x93: {  	s2 =	sld [smem:$0x3FFC];
	_ =	sdelay $0x3  }
0x94: {  	_ =	strace s2  }
0x95: {  	s2 =	sld [smem:$0x3FFD];
	_ =	sdelay $0x3  }
0x96: {  	_ =	strace s2  }
0x97: {  	_ =	strace $0x8FFFFFFF  }
0x98: {  	s18 =	sld [smem:$0x3FDB];
	_ =	sdelay $0x1  }
0x99: {  	s19 =	simm.s32 $_scs_section_size  }
0x9a: {  	s4 =	simm.s32 $_size__tile_overlayer_lowered;
	s5 =	simm.s32 $_tile_overlayer_lowered  }
0x9b: {  	s22 =	simm.s32 $0x1BFF;
	s21 =	sshll.u32 s5, $0x1;
	s2 =	sadd.s32 s19, s18  }
0x9c: {  	s6 =	simm.s32 $0x0;
	s20 =	sshll.u32 s4, $0x1;
	s4 =	sadd.s32 s21, s2  }
0x9d: {  	[timem:s6], [sflag:s22] =	dma.local [hbm:s4], s20  }
0x9e: {  	_ =	swait.ge [sflag:s22], s20  }
0x9f: {  	s3 =	ssub.s32 $0x0, s20;
	[sflag:s22] =	ssyncset.done $0x0  }
0xa0: {  	[sflag:s22] =	ssyncadd.s32 s3;
	_ =	sdelay $0x1  }
0xa1: {  	s23 =	simm.s32 $0x1B8B  }
0xa2: {  	_ =	swait.ge [sflag:s23], $0x1  }
0xa3: {  	[sflag:s23] =	ssyncset.done $0x0  }
0xa4: {  	s25 =	simm.s32 $0x1B8E;
	s24 =	sld [smem:$0x3FFE];
	[sflag:s23] =	ssyncadd.s32 $0xFFFFFFFF  }
0xa5: {  	s26 =	simm.s32 $execute0_lowered;
	[smem:$0x3FD2] =	sst s25  }
0xa6: {  	s4 =	sshll.u32 s26, $0x1;
	_ =	strace $0x80000046;
	[dreg:$0x1] =	wrdreg $0xFFFFFFFF  }
0xa7: {  	s28 =	simm.s32 $_size_execute0_lowered;
	s2 =	sadd.s32 s2, s4;
	[dreg:$0x0] =	wrdreg $0x0  }
0xa8: {  	s4 =	sshll.u32 s28, $0x1;
	[dreg:$0x2] =	wrdreg s2  }
0xa9: {  	[dreg:$0x3] =	wrdreg s4  }
0xaa: {  	[dreg:$0x4] =	wrdreg $0xC0  }
0xab: {  	_ =	task [dreg:s6], $0x5FFFF  }
0xac: {  	[dreg:$0x1] =	wrdreg $0xFFFFFFFF  }
0xad: {  	[dreg:$0x0] =	wrdreg $0x60  }
0xae: {  	[dreg:$0x2] =	wrdreg s24  }
0xaf: {  	[dreg:$0x3] =	wrdreg $0x2F000  }
0xb0: {  	[dreg:$0x4] =	wrdreg $0x9  }
0xb1: {  	_ =	task.clear_ibuf [dreg:s6], $0x5FFFF;
	_ =	strace $0x90000046  }
0xb2: {  	s29 =	simm.s32 $0x9;
	_ =	strace $0x80000048  }
0xb3: {  	_ =	swait.ge [sflag:s29], $0x1  }
0xb4: {  	[sflag:s29] =	ssyncadd.s32 $0xFFFFFFFF  }
0xb5: {  	_ =	strace $0x90000048  }
0xb6: {  	_ =	sfence  }
0xb7: {  	s30 =	sld [smem:$0x0];
	_ =	sdelay $0x2  }
0xb8: {  	s31 =	sshll.u32 s1, $0xD;
	s1 =	sshrl.u32 s1, $0x2  }
0xb9: {  	s3 =	sand.u32 $0x4000, s31;
	s1 =	sadd.s32 s1, s30  }
0xba: {  	s0 =	sor.u32 s3, s0;
	s1 =	sshll.u32 s1, $0x11  }
0xbb: {  	s0 =	sor.u32 s1, s0  }
0xbc: {  	s0 =	sadd.s32 $0x8F2B, s0  }
0xbd: {  	[sflag:s0] =	ssyncadd.remote.s32 $0x1  }
0xbe: {  	_ =	sfence.sel $0xFFFF  }
0xbf: {  	[dreg:$0x0] =	wrdreg $0xFFFFFFFF;
	(pc) =	sbr.abs _section_cstart, $3  }
0xc0: {  	[dreg:$0x1] =	wrdreg $0xFFFFFFFF  }
0xc1: {  	_ =	task.clear_ibuf [dreg:s6], $0x2FFFF;
	_ =	strace $0x9FFFFFFF  }
0xc2: {  	(tm) =	ssettm $0x7FFFFFFF  }
0xc3: {  	_ =	shalt  }
tec
execute0_lowered:
.L_overlay_start_1:
0x0: {  	(tag) =	ssettag $0x1  }
0x1: {  	s4 =	rddreg [dreg:$0x0];
	s0 =	srdreg.scid  }
0x2: {  	s2 =	rddreg [dreg:$0x1];
	s1 =	stileid.u32  }
0x3: {  	s3 =	simm.s32 $0x0;
	s10 =	simm.s32 $0x80;
	s11 =	simm.s32 $0x2C00  }
0x4: {  	s14 =	simm.s32 $0x20;
	s15 =	simm.s32 $0x10;
	s16 =	simm.s32 $0x0  }
0x5: {  	s5 =	sand.u32 $0x1, s0;
	s0 =	rddreg [dreg:$0x2];
	s7 =	smul.u32 $0x500, s1  }
0x6: {  	[smem:$0x7FF] =	sst s3;
	s30 =	smul.u32 $0xA00, s1;
	s12 =	sshll.u32 s1, $0x6  }
0x7: {  	s6 =	sshll.u32 s5, $0x4;
	s8 =	sshll.u32 s5, $0x7;
	_ =	strace $0x80000047  }
0x8: {  	s5 =	ssub.s32 $0x2, s5;
	s12 =	sor.u32 $0x1C01, s12;
	s6 =	sor.u32 s1, s6  }
0x9: {  	s7 =	sor.u32 s8, s7;
	s31 =	sshrl.u32 s5, $0x1;
	s6 =	smul.u32 $0x580, s6  }
0xa: {  	s8 =	sshrl.u32 s30, $0x2;
	s7 =	sshrl.u32 s7, $0x3;
	s9 =	ssub.s32 s5, s31  }
0xb: {  	s7 =	sadd.s32 s7, s4;
	s6 =	sadd.s32 s6, s4;
	s4 =	sadd.s32 s8, s2  }
0xc: {  	s8 =	simm.s32 $0x2C80;
	s5 =	sadd.s32 $0x2200, s6;
	s6 =	sadd.s32 $0xD200, s7  }
0xd: {  	v0 =	vimm.f32 $0.0e+00;
	v1 =	vimm.f32 $1.000000000e+00;
	s7 =	smax.u32 s9, $0x1;
	s9 =	simm.s32 $0x1;
	s13 =	sshrl.u32 s4, $0x3  }
.LBB2_1:
0xe: {  	[tilespmem:$0x2C80] =	vst v0  }
0xf: {  	[tilespmem:$0x2C90] =	vst v0  }
0x10: {  	[tilespmem:$0x2CA0] =	vst v0  }
0x11: {  	[tilespmem:$0x2CB0] =	vst v0  }
0x12: {  	[tilespmem:$0x2CC0] =	vst v0  }
0x13: {  	[tilespmem:$0x2CD0] =	vst v0  }
0x14: {  	[tilespmem:$0x2CE0] =	vst v0  }
0x15: {  	[tilespmem:$0x2CF0] =	vst v0  }
0x16: {  	[tilespmem:$0x2D00] =	vst v0  }
0x17: {  	[tilespmem:$0x2D10] =	vst v0  }
0x18: {  	[tilespmem:$0x2D20] =	vst v0  }
0x19: {  	[tilespmem:$0x2D30] =	vst v0  }
0x1a: {  	[tilespmem:$0x2D40] =	vst v0  }
0x1b: {  	[tilespmem:$0x2D50] =	vst v0  }
0x1c: {  	[tilespmem:$0x2D60] =	vst v0  }
0x1d: {  	[tilespmem:$0x2D70] =	vst v0  }
0x1e: {  	[tilespmem:$0x2D80] =	vst v0  }
0x1f: {  	[tilespmem:$0x2D90] =	vst v0  }
0x20: {  	[tilespmem:$0x2DA0] =	vst v0  }
0x21: {  	[tilespmem:$0x2DB0] =	vst v0  }
0x22: {  	[tilespmem:$0x2DC0] =	vst v0  }
0x23: {  	[tilespmem:$0x2DD0] =	vst v0  }
0x24: {  	[tilespmem:$0x2DE0] =	vst v0  }
0x25: {  	[tilespmem:$0x2DF0] =	vst v0  }
0x26: {  	[tilespmem:$0x2E00] =	vst v0  }
0x27: {  	[tilespmem:$0x2E10] =	vst v0  }
0x28: {  	[tilespmem:$0x2E20] =	vst v0  }
0x29: {  	[tilespmem:$0x2E30] =	vst v0  }
0x2a: {  	[tilespmem:$0x2E40] =	vst v0  }
0x2b: {  	[tilespmem:$0x2E50] =	vst v0  }
0x2c: {  	[tilespmem:$0x2E60] =	vst v0  }
0x2d: {  	[tilespmem:$0x2E70] =	vst v0  }
0x2e: {  	[tilespmem:$0x2E80] =	vst v0  }
0x2f: {  	[tilespmem:$0x2E90] =	vst v0  }
0x30: {  	[tilespmem:$0x2EA0] =	vst v0  }
0x31: {  	[tilespmem:$0x2EB0] =	vst v0  }
0x32: {  	[tilespmem:$0x2EC0] =	vst v0  }
0x33: {  	[tilespmem:$0x2ED0] =	vst v0  }
0x34: {  	[tilespmem:$0x2EE0] =	vst v0  }
0x35: {  	[tilespmem:$0x2EF0] =	vst v0  }
0x36: {  	[tilespmem:$0x2C00] =	vst v1  }
0x37: {  	[tilespmem:$0x2C10] =	vst v1  }
0x38: {  	[tilespmem:$0x2C20] =	vst v1  }
0x39: {  	[tilespmem:$0x2C30] =	vst v1  }
0x3a: {  	[tilespmem:$0x2C40] =	vst v1  }
0x3b: {  	[tilespmem:$0x2C50] =	vst v1  }
0x3c: {  	[tilespmem:$0x2C60] =	vst v1  }
0x3d: {  	[tilespmem:$0x2C70] =	vst v1  }
0x3e: {  	[spmem:s4] =	stream.linear.scatter [tilespmem:s8], [sflag:$0x1], $0x280, $0x38;
	[tilespmem:$0x3180] =	vst v63  }
0x3f: {  	_ =	swait.ge [sflag:s9], $0x280  }
0x40: {  	[sflag:s9] =	ssyncset.done $0x0  }
0x41: {  	[sflag:s9] =	ssyncadd.s32 $0xFFFFFD80  }
0x42: {  	[tilespmem:s3], [sflag:$0x1] =	stream.linear.gather [hbm4b:s5+s3], $0x2880, $0x38;
	[tilespmem:$0x3180] =	vst v63  }
0x43: {  	_ =	swait.ge [sflag:s9], $0x2880  }
0x44: {  	[sflag:s9] =	ssyncset.done $0x0  }
0x45: {  	[sflag:s9] =	ssyncadd.s32 $0xFFFFD780  }
0x46: {  	s17 =	simm.s32 $0x0;
	[bflag:$0x0] =	sbarrier.arrive $0xFFFF  }
0x47: {  	[spmem:s2] =	stream.indirect.scatter.add.f32 [tilespmem:s11], [sflag:$0x1], $0x1, s17, s10, $0xb8;
	[tilespmem:$0x3180] =	vst v63  }
0x48: {  	_ =	swait.ge [sflag:s9], $0x80  }
0x49: {  	s17 =	simm.s32 $0x200;
	[sflag:s9] =	ssyncset.done $0x0  }
.LBB2_2:
0x4a: {  	s18 =	sshra.s32 s17, $0x2;
	[sflag:s9] =	ssyncadd.s32 $0xFFFFFF80;
	p0 =	sne.s32 s17, $0xA000  }
0x4b: {  	[spmem:s2] =	stream.indirect.scatter.add.f32 [tilespmem:s11], [sflag:$0x1], $0x1, s18, s10, $0xb8;
	[tilespmem:$0x3180] =	vst v63  }
.Ltmp0:
0x4c: {  	_ = 	snop;
	(pc) =	sbr.rel @p0 .LBB2_2-.Ltmp0, $4  }
0x4d: {  	_ = 	snop  }
0x4e: {  	s17 =	sadd.s32 $0x200, s17  }
0x4f: {  	_ =	swait.ge [sflag:s9], $0x80  }
0x50: {  	[sflag:s9] =	ssyncset.done $0x0  }
0x51: {  	s16 =	sadd.s32 $0x1, s16  }
0x52: {  	[sflag:s9] =	ssyncadd.s32 $0xFFFFFF80;
	p0 =	sne.s32 s16, s7  }
.Ltmp1:
0x53: {  	[bflag:$0x0] =	sbarrier.arrive $0xFFFF;
	(pc) =	sbr.rel @p0 .LBB2_1-.Ltmp1, $4  }
0x54: {  	[hbm:s6@s14], [sflag:s12] =	dma.strided [spmem:s13@s15], $0x50, s9, $0x10   }
0x55: {  	_ =	swait.ge [sflag:s9], $0x50  }
0x56: {  	[sflag:s9] =	ssyncset.done $0x0  }
0x57: {  	[sflag:s9] =	ssyncadd.s32 $0xFFFFFFB0  }
0x58: {  	_ =	sfence.sel $0x180000  }
0x59: {  	[bflag:$0x0] =	sbarrier.arrive $0xFFFF  }
0x5a: {  	p0 =	sne.s32 s1, $0x0;
	_ =	strace $0x90000047  }
0x5b: {  	s0 =	sadd.s32 @!p0 $0x100000, s0;
	[bflag:$0x2] =	sbarrier.arrive $0xFFFF  }
0x5c: {  	[sflag:s0] =	ssyncadd.tile.s32 @!p0 $0x1;
	_ =	shalt  }
.Lfunc_end2:
_tile_overlayer_lowered:
.L_overlay_start_2:
0x5d: {  	(tag) =	ssettag $0x2  }
0x5e: {  	s0 =	rddreg [dreg:$0x0];
	s2 =	stileid.u32  }
0x5f: {  	s1 =	rddreg [dreg:$0x1];
	p0 =	sne.s32 s2, $0x0  }
0x60: {  	s3 =	rddreg [dreg:$0x2];
	[bflag:$0x3] =	sbarrier.arrive $0xFFFF;
	s2 =	simm.s32 @!p0 $0x1C01  }
0x61: {  	[timem:s3], [sflag:s2] =	dma.local @!p0 [hbm:s0], s1  }
0x62: {  	s0 =	simm.s32 @!p0 $0x1  }
0x63: {  	_ =	swait.ge @!p0 [sflag:s0], s1  }
0x64: {  	s1 =	ssub.s32 @!p0 $0x0, s1;
	[sflag:s0] =	ssyncset.done @!p0 $0x0  }
0x65: {  	[sflag:s0] =	ssyncadd.s32 @!p0 s1  }
0x66: {  	[bflag:$0x3] =	sbarrier.arrive $0xFFFF  }
0x67: {  	_ =	shalt  }

</sc_bundles>
